<compile_context>
chip_gen: v7x
topology: tpu7x:2x2x1
jax: 0.10.2.dev20260603
libtpu: 0.0.44.dev20260713+nightly
codegen_flags: <defaults>
</compile_context>

<pallas_src>
import functools

import numpy as np
import jax
import jax.numpy as jnp
from jax import lax
from jax.experimental import pallas as pl
from jax.experimental.pallas import tpu as pltpu
from jax.experimental.pallas import tpu_sc as plsc

_NC = 2
_NS = 16
_NW = _NC * _NS
_LANES = 16


def _pe2_np(max_len, L, D):
    pos = np.arange(max_len)[:, None].astype(np.float32)
    div = np.exp(np.arange(0, D, 2).astype(np.float32) * (-np.log(10000.0) / D))
    pe = np.zeros((max_len, D), np.float32)
    pe[:, 0::2] = np.sin(pos * div)
    pe[:, 1::2] = np.cos(pos * div)
    pe = pe[:L]
    return pe + pe


def _build_table(pe2, seg):
    S, D = seg.shape
    L = pe2.shape[0]

    def body(pe2_ref, seg_ref, out_ref):
        out_ref[...] = seg_ref[...][:, None, :] + pe2_ref[...][None, :, :]

    return pl.pallas_call(
        body,
        out_shape=jax.ShapeDtypeStruct((S, L, D), jnp.float32),
    )(pe2, seg)


@functools.partial(jax.jit, static_argnames=("L",))
def _sc_lookup(table, labels, L):
    N = labels.shape[0]
    D = table.shape[1]
    n_w = N // _NW
    CH = 128
    NBUF = 2
    n_ch = n_w // CH
    GRP = CH // _LANES

    mesh = plsc.VectorSubcoreMesh(
        core_axis_name="c", subcore_axis_name="s",
        num_cores=_NC, num_subcores=_NS)

    @functools.partial(
        pl.kernel,
        out_type=jax.ShapeDtypeStruct((N, D), jnp.float32),
        mesh=mesh,
        scratch_types=[
            pltpu.VMEM_SHARED(table.shape, jnp.float32),
            pltpu.VMEM((n_w,), jnp.int32),
            pltpu.VMEM((n_ch, CH), jnp.int32),
        ] + [pltpu.VMEM((CH, D), jnp.float32) for _ in range(NBUF)]
          + [pltpu.SemaphoreType.DMA for _ in range(2 * NBUF)],
    )
    def k(table_hbm, labels_hbm, out_hbm, table_sh, lab_v, idx_v, *bufs):
        rows = bufs[:NBUF]
        gs = bufs[NBUF:2 * NBUF]
        ws = bufs[2 * NBUF:3 * NBUF]
        sid = lax.axis_index("s")
        wid = sid * _NC + lax.axis_index("c")
        base = wid * n_w
        @pl.when(sid == 0)
        def _():
            pltpu.sync_copy(table_hbm, table_sh)
        pltpu.sync_copy(labels_hbm.at[pl.ds(base, n_w)], lab_v)
        plsc.subcore_barrier()
        iota = lax.iota(jnp.int32, _LANES)

        def compute_idx(c):
            for g in range(GRP):
                off = c * CH + g * _LANES
                lab = lab_v[pl.ds(off, _LANES)]
                p = base + off + iota
                idx_v[c, pl.ds(g * _LANES, _LANES)] = lab * L + lax.rem(p, L)

        def g_copy(c, b):
            return pltpu.make_async_copy(
                table_sh.at[idx_v.at[c]], rows[b], gs[b])

        def w_copy(c, b):
            return pltpu.make_async_copy(
                rows[b], out_hbm.at[pl.ds(base + c * CH, CH)], ws[b])

        for b in range(NBUF):
            compute_idx(b)
            g_copy(b, b).start()

        def body(i, carry):
            c = NBUF * i
            for b in range(NBUF):
                cc = c + b
                g_copy(cc, b).wait()
                w_copy(cc, b).start()
                compute_idx(cc + NBUF)
                w_copy(cc, b).wait()
                g_copy(cc + NBUF, b).start()
            return carry

        lax.fori_loop(0, (n_ch - NBUF) // NBUF, body, 0)

        for b in range(NBUF):
            cc = n_ch - NBUF + b
            g_copy(cc, b).wait()
            w_copy(cc, b).start()
            w_copy(cc, b).wait()

    return k(table, labels)


def kernel(x, segment_label, seg_table):
    B, L = segment_label.shape
    S, D = seg_table.shape
    pe2 = jnp.asarray(_pe2_np(512, L, D))
    table = _build_table(pe2, seg_table).reshape(S * L, D)
    labels = segment_label.reshape(B * L)
    out = _sc_lookup(table, labels, L)
    return out.reshape(B, L, D)

# --- scband reference (transcript-rebuilt; emitter-appended) ---
"""Pipeline reference for scband-bert-embeddings-23570780520801 (READ-ONLY COPY).

The authoritative reference and input builder live on the scoring server;
editing this copy changes nothing except your own understanding.
"""

import jax, jax.numpy as jnp
import numpy as np

MAX_LEN = 512

def sinusoidal_pe(max_len, d):
    pos = np.arange(max_len)[:, None].astype(np.float32)
    div = np.exp(np.arange(0, d, 2).astype(np.float32) * (-np.log(10000.0) / d))
    pe = np.zeros((max_len, d), np.float32)
    pe[:, 0::2] = np.sin(pos * div)
    pe[:, 1::2] = np.cos(pos * div)
    return jnp.asarray(pe)[None]  # [1, max_len, d]

def setup_inputs(seed: int = 0):
    key = jax.random.key(seed)
    k1, k2, k3 = jax.random.split(key, 3)
    B, L, D, V = 1024, 200, 128, 100000
    x = jax.random.randint(k1, (B, L), 0, V, dtype=jnp.int32)
    segment_label = jax.random.randint(k2, (B, L), 0, 3, dtype=jnp.int32)
    seg_table = jax.random.normal(k3, (3, D), dtype=jnp.float32) * 0.02
    return {"x": x, "segment_label": segment_label, "seg_table": seg_table}

def reference(x, segment_label, seg_table):
    # Faithful to the torch forward: position_emb(x) + position_emb(x) + segment_labels(segment_label)
    # PositionEmbedding is the standard fixed sinusoidal PE returning pe[:, :seq_len]
    # (token_emb is constructed in __init__ but never used in forward).
    L = x.shape[1]
    D = seg_table.shape[1]
    pe = sinusoidal_pe(MAX_LEN, D)[:, :L]  # [1, L, D]
    seg = jnp.take(seg_table, segment_label, axis=0)  # [B, L, D] gather
    out = pe + pe + seg
    # nn.Dropout(0.01) is identity in eval mode
    return out

if __name__ == "__main__":
    import jax
    _d = setup_inputs()
    print(jax.jit(kernel)(*tuple(_d.values())))

</pallas_src>

<mosaic_0001>
#map = affine_map<(d0, d1) -> (0, 0)>
#map1 = affine_map<(d0, d1) -> (0)>
module attributes {stable_mosaic.version = 14 : i64} {
  func.func @k(%arg0: i32, %arg1: i32, %arg2: memref<600x128xf32, #tpu.memory_space<hbm>>, %arg3: memref<204800xi32, #tpu.memory_space<hbm>>, %arg4: memref<204800x128xf32, #tpu.memory_space<hbm>>, %arg5: memref<600x128xf32, #tpu.memory_space<vmem_shared>>, %arg6: memref<6400xi32, #tpu.memory_space<vmem>>, %arg7: memref<50x128xi32, #tpu.memory_space<vmem>>, %arg8: memref<128x128xf32, #tpu.memory_space<vmem>>, %arg9: memref<128x128xf32, #tpu.memory_space<vmem>>, %arg10: memref<!tpu.dma_semaphore, #tpu.memory_space<semaphore_mem>>, %arg11: memref<!tpu.dma_semaphore, #tpu.memory_space<semaphore_mem>>, %arg12: memref<!tpu.dma_semaphore, #tpu.memory_space<semaphore_mem>>, %arg13: memref<!tpu.dma_semaphore, #tpu.memory_space<semaphore_mem>>) attributes {dimension_semantics = [#tpu.dimension_semantics<core_parallel>, #tpu.dimension_semantics<subcore_parallel>], iteration_bounds = array<i64: 2, 16>, scalar_prefetch = 0 : i64, scratch_operands = 9 : i64, tpu.core_type = #tpu.core_type<sc_vector_subcore>, window_params = [{transform_indices = #map}, {transform_indices = #map1}, {transform_indices = #map}]} {
    %mul3A = arith.constant 2 : i32
    %mul3A_0 = arith.muli %arg1, %mul3A : i32
    %add3A = arith.addi %mul3A_0, %arg0 : i32
    %mul3A_1 = arith.constant 6400 : i32
    %mul3A_2 = arith.muli %add3A, %mul3A_1 : i32
    %eq3A = arith.constant 0 : i32
    %eq3A_3 = arith.cmpi eq, %arg1, %eq3A : i32
    %convert_element_type3A = arith.extui %eq3A_3 : i1 to i32
    %cond3A = arith.constant 0 : i32
    %cond3A_4 = arith.cmpi ne, %convert_element_type3A, %cond3A : i32
    scf.if %cond3A_4 {
      "tpu.region"() ({
        %run_scoped3A = tpu.sem_alloc : memref<!tpu.dma_semaphore, #tpu.memory_space<semaphore_mem>>
        tpu.enqueue_dma source(%arg2 : memref<600x128xf32, #tpu.memory_space<hbm>>) target(%arg5 : memref<600x128xf32, #tpu.memory_space<vmem_shared>>) target_semaphore(%run_scoped3A : memref<!tpu.dma_semaphore, #tpu.memory_space<semaphore_mem>>)
        tpu.wait_dma2 semaphore(%run_scoped3A : memref<!tpu.dma_semaphore, #tpu.memory_space<semaphore_mem>>) src(%arg2 : memref<600x128xf32, #tpu.memory_space<hbm>>) dst(%arg5 : memref<600x128xf32, #tpu.memory_space<vmem_shared>>)
        tpu.yield
      }) : () -> ()
    } else {
    }
    "tpu.region"() ({
      %run_scoped3A = tpu.sem_alloc : memref<!tpu.dma_semaphore, #tpu.memory_space<semaphore_mem>>
      %dma_start3A_377 = tpu.memref_slice %arg3[%mul3A_2] : memref<204800xi32, #tpu.memory_space<hbm>> -> memref<6400xi32, #tpu.memory_space<hbm>>
      %dma_start3A_378 = tpu.memref_slice %arg3[%mul3A_2] : memref<204800xi32, #tpu.memory_space<hbm>> -> memref<6400xi32, #tpu.memory_space<hbm>>
      tpu.enqueue_dma source(%dma_start3A_378 : memref<6400xi32, #tpu.memory_space<hbm>>) target(%arg6 : memref<6400xi32, #tpu.memory_space<vmem>>) target_semaphore(%run_scoped3A : memref<!tpu.dma_semaphore, #tpu.memory_space<semaphore_mem>>)
      %dma_wait3A_379 = tpu.memref_slice %arg3[%mul3A_2] : memref<204800xi32, #tpu.memory_space<hbm>> -> memref<6400xi32, #tpu.memory_space<hbm>>
      %dma_wait3A_380 = tpu.memref_slice %arg3[%mul3A_2] : memref<204800xi32, #tpu.memory_space<hbm>> -> memref<6400xi32, #tpu.memory_space<hbm>>
      tpu.wait_dma2 semaphore(%run_scoped3A : memref<!tpu.dma_semaphore, #tpu.memory_space<semaphore_mem>>) src(%dma_wait3A_380 : memref<6400xi32, #tpu.memory_space<hbm>>) dst(%arg6 : memref<6400xi32, #tpu.memory_space<vmem>>)
      tpu.yield
    }) : () -> ()
    %barrier3A = arith.constant 0 : index
    tpu.barrier barrier_id(%barrier3A)
    %iota3A = tpu.iota {dimensions = array<i32: 0>} : vector<16xi32>
    %get3A = arith.constant 0 : index
    %get3A_5 = tpu.vector_load %arg6[%get3A] {strides = array<i32>} : memref<6400xi32, #tpu.memory_space<vmem>>, vector<16xi32>,
    %get3A_6 = vector.shape_cast %get3A_5 : vector<16xi32> to vector<16xi32>
    %add3A_7 = arith.constant 0 : i32
    %add3A_8 = arith.addi %mul3A_2, %add3A_7 : i32
    %add3A_9 = vector.broadcast %add3A_8 : i32 to vector<16xi32>
    %add3A_10 = arith.addi %add3A_9, %iota3A : vector<16xi32>
    %mul3A_11 = arith.constant 200 : i32
    %mul3A_12 = vector.broadcast %mul3A_11 : i32 to vector<16xi32>
    %mul3A_13 = arith.muli %get3A_6, %mul3A_12 : vector<16xi32>
    %rem3A = arith.constant 200 : i32
    %rem3A_14 = vector.broadcast %rem3A : i32 to vector<16xi32>
    %rem3A_15 = arith.remsi %add3A_10, %rem3A_14 : vector<16xi32>
    %add3A_16 = arith.addi %mul3A_13, %rem3A_15 : vector<16xi32>
    %swap3A = arith.constant 0 : i32
    %swap3A_17 = arith.index_cast %swap3A : i32 to index
    %swap3A_18 = arith.constant 0 : index
    %swap3A_19 = tpu.vector_load %arg7[%swap3A_17, %swap3A_18] {strides = array<i32>} : memref<50x128xi32, #tpu.memory_space<vmem>>, vector<1x16xi32>,
    %swap3A_20 = vector.shape_cast %swap3A_19 : vector<1x16xi32> to vector<16xi32>
    %swap3A_21 = vector.shape_cast %add3A_16 : vector<16xi32> to vector<1x16xi32>
    tpu.vector_store %arg7[%swap3A_17, %swap3A_18], %swap3A_21 {strides = array<i32>} : memref<50x128xi32, #tpu.memory_space<vmem>>, vector<1x16xi32>,
    %get3A_22 = arith.constant 16 : index
    %get3A_23 = tpu.vector_load %arg6[%get3A_22] {strides = array<i32>} : memref<6400xi32, #tpu.memory_space<vmem>>, vector<16xi32>,
    %get3A_24 = vector.shape_cast %get3A_23 : vector<16xi32> to vector<16xi32>
    %add3A_25 = arith.constant 16 : i32
    %add3A_26 = arith.addi %mul3A_2, %add3A_25 : i32
    %add3A_27 = vector.broadcast %add3A_26 : i32 to vector<16xi32>
    %add3A_28 = arith.addi %add3A_27, %iota3A : vector<16xi32>
    %mul3A_29 = arith.constant 200 : i32
    %mul3A_30 = vector.broadcast %mul3A_29 : i32 to vector<16xi32>
    %mul3A_31 = arith.muli %get3A_24, %mul3A_30 : vector<16xi32>
    %rem3A_32 = arith.constant 200 : i32
    %rem3A_33 = vector.broadcast %rem3A_32 : i32 to vector<16xi32>
    %rem3A_34 = arith.remsi %add3A_28, %rem3A_33 : vector<16xi32>
    %add3A_35 = arith.addi %mul3A_31, %rem3A_34 : vector<16xi32>
    %swap3A_36 = arith.constant 0 : i32
    %swap3A_37 = arith.index_cast %swap3A_36 : i32 to index
    %swap3A_38 = arith.constant 16 : index
    %swap3A_39 = tpu.vector_load %arg7[%swap3A_37, %swap3A_38] {strides = array<i32>} : memref<50x128xi32, #tpu.memory_space<vmem>>, vector<1x16xi32>,
    %swap3A_40 = vector.shape_cast %swap3A_39 : vector<1x16xi32> to vector<16xi32>
    %swap3A_41 = vector.shape_cast %add3A_35 : vector<16xi32> to vector<1x16xi32>
    tpu.vector_store %arg7[%swap3A_37, %swap3A_38], %swap3A_41 {strides = array<i32>} : memref<50x128xi32, #tpu.memory_space<vmem>>, vector<1x16xi32>,
    %get3A_42 = arith.constant 32 : index
    %get3A_43 = tpu.vector_load %arg6[%get3A_42] {strides = array<i32>} : memref<6400xi32, #tpu.memory_space<vmem>>, vector<16xi32>,
    %get3A_44 = vector.shape_cast %get3A_43 : vector<16xi32> to vector<16xi32>
    %add3A_45 = arith.constant 32 : i32
    %add3A_46 = arith.addi %mul3A_2, %add3A_45 : i32
    %add3A_47 = vector.broadcast %add3A_46 : i32 to vector<16xi32>
    %add3A_48 = arith.addi %add3A_47, %iota3A : vector<16xi32>
    %mul3A_49 = arith.constant 200 : i32
    %mul3A_50 = vector.broadcast %mul3A_49 : i32 to vector<16xi32>
    %mul3A_51 = arith.muli %get3A_44, %mul3A_50 : vector<16xi32>
    %rem3A_52 = arith.constant 200 : i32
    %rem3A_53 = vector.broadcast %rem3A_52 : i32 to vector<16xi32>
    %rem3A_54 = arith.remsi %add3A_48, %rem3A_53 : vector<16xi32>
    %add3A_55 = arith.addi %mul3A_51, %rem3A_54 : vector<16xi32>
    %swap3A_56 = arith.constant 0 : i32
    %swap3A_57 = arith.index_cast %swap3A_56 : i32 to index
    %swap3A_58 = arith.constant 32 : index
    %swap3A_59 = tpu.vector_load %arg7[%swap3A_57, %swap3A_58] {strides = array<i32>} : memref<50x128xi32, #tpu.memory_space<vmem>>, vector<1x16xi32>,
    %swap3A_60 = vector.shape_cast %swap3A_59 : vector<1x16xi32> to vector<16xi32>
    %swap3A_61 = vector.shape_cast %add3A_55 : vector<16xi32> to vector<1x16xi32>
    tpu.vector_store %arg7[%swap3A_57, %swap3A_58], %swap3A_61 {strides = array<i32>} : memref<50x128xi32, #tpu.memory_space<vmem>>, vector<1x16xi32>,
    %get3A_62 = arith.constant 48 : index
    %get3A_63 = tpu.vector_load %arg6[%get3A_62] {strides = array<i32>} : memref<6400xi32, #tpu.memory_space<vmem>>, vector<16xi32>,
    %get3A_64 = vector.shape_cast %get3A_63 : vector<16xi32> to vector<16xi32>
    %add3A_65 = arith.constant 48 : i32
    %add3A_66 = arith.addi %mul3A_2, %add3A_65 : i32
    %add3A_67 = vector.broadcast %add3A_66 : i32 to vector<16xi32>
    %add3A_68 = arith.addi %add3A_67, %iota3A : vector<16xi32>
    %mul3A_69 = arith.constant 200 : i32
    %mul3A_70 = vector.broadcast %mul3A_69 : i32 to vector<16xi32>
    %mul3A_71 = arith.muli %get3A_64, %mul3A_70 : vector<16xi32>
    %rem3A_72 = arith.constant 200 : i32
    %rem3A_73 = vector.broadcast %rem3A_72 : i32 to vector<16xi32>
    %rem3A_74 = arith.remsi %add3A_68, %rem3A_73 : vector<16xi32>
    %add3A_75 = arith.addi %mul3A_71, %rem3A_74 : vector<16xi32>
    %swap3A_76 = arith.constant 0 : i32
    %swap3A_77 = arith.index_cast %swap3A_76 : i32 to index
    %swap3A_78 = arith.constant 48 : index
    %swap3A_79 = tpu.vector_load %arg7[%swap3A_77, %swap3A_78] {strides = array<i32>} : memref<50x128xi32, #tpu.memory_space<vmem>>, vector<1x16xi32>,
    %swap3A_80 = vector.shape_cast %swap3A_79 : vector<1x16xi32> to vector<16xi32>
    %swap3A_81 = vector.shape_cast %add3A_75 : vector<16xi32> to vector<1x16xi32>
    tpu.vector_store %arg7[%swap3A_77, %swap3A_78], %swap3A_81 {strides = array<i32>} : memref<50x128xi32, #tpu.memory_space<vmem>>, vector<1x16xi32>,
    %get3A_82 = arith.constant 64 : index
    %get3A_83 = tpu.vector_load %arg6[%get3A_82] {strides = array<i32>} : memref<6400xi32, #tpu.memory_space<vmem>>, vector<16xi32>,
    %get3A_84 = vector.shape_cast %get3A_83 : vector<16xi32> to vector<16xi32>
    %add3A_85 = arith.constant 64 : i32
    %add3A_86 = arith.addi %mul3A_2, %add3A_85 : i32
    %add3A_87 = vector.broadcast %add3A_86 : i32 to vector<16xi32>
    %add3A_88 = arith.addi %add3A_87, %iota3A : vector<16xi32>
    %mul3A_89 = arith.constant 200 : i32
    %mul3A_90 = vector.broadcast %mul3A_89 : i32 to vector<16xi32>
    %mul3A_91 = arith.muli %get3A_84, %mul3A_90 : vector<16xi32>
    %rem3A_92 = arith.constant 200 : i32
    %rem3A_93 = vector.broadcast %rem3A_92 : i32 to vector<16xi32>
    %rem3A_94 = arith.remsi %add3A_88, %rem3A_93 : vector<16xi32>
    %add3A_95 = arith.addi %mul3A_91, %rem3A_94 : vector<16xi32>
    %swap3A_96 = arith.constant 0 : i32
    %swap3A_97 = arith.index_cast %swap3A_96 : i32 to index
    %swap3A_98 = arith.constant 64 : index
    %swap3A_99 = tpu.vector_load %arg7[%swap3A_97, %swap3A_98] {strides = array<i32>} : memref<50x128xi32, #tpu.memory_space<vmem>>, vector<1x16xi32>,
    %swap3A_100 = vector.shape_cast %swap3A_99 : vector<1x16xi32> to vector<16xi32>
    %swap3A_101 = vector.shape_cast %add3A_95 : vector<16xi32> to vector<1x16xi32>
    tpu.vector_store %arg7[%swap3A_97, %swap3A_98], %swap3A_101 {strides = array<i32>} : memref<50x128xi32, #tpu.memory_space<vmem>>, vector<1x16xi32>,
    %get3A_102 = arith.constant 80 : index
    %get3A_103 = tpu.vector_load %arg6[%get3A_102] {strides = array<i32>} : memref<6400xi32, #tpu.memory_space<vmem>>, vector<16xi32>,
    %get3A_104 = vector.shape_cast %get3A_103 : vector<16xi32> to vector<16xi32>
    %add3A_105 = arith.constant 80 : i32
    %add3A_106 = arith.addi %mul3A_2, %add3A_105 : i32
    %add3A_107 = vector.broadcast %add3A_106 : i32 to vector<16xi32>
    %add3A_108 = arith.addi %add3A_107, %iota3A : vector<16xi32>
    %mul3A_109 = arith.constant 200 : i32
    %mul3A_110 = vector.broadcast %mul3A_109 : i32 to vector<16xi32>
    %mul3A_111 = arith.muli %get3A_104, %mul3A_110 : vector<16xi32>
    %rem3A_112 = arith.constant 200 : i32
    %rem3A_113 = vector.broadcast %rem3A_112 : i32 to vector<16xi32>
    %rem3A_114 = arith.remsi %add3A_108, %rem3A_113 : vector<16xi32>
    %add3A_115 = arith.addi %mul3A_111, %rem3A_114 : vector<16xi32>
    %swap3A_116 = arith.constant 0 : i32
    %swap3A_117 = arith.index_cast %swap3A_116 : i32 to index
    %swap3A_118 = arith.constant 80 : index
    %swap3A_119 = tpu.vector_load %arg7[%swap3A_117, %swap3A_118] {strides = array<i32>} : memref<50x128xi32, #tpu.memory_space<vmem>>, vector<1x16xi32>,
    %swap3A_120 = vector.shape_cast %swap3A_119 : vector<1x16xi32> to vector<16xi32>
    %swap3A_121 = vector.shape_cast %add3A_115 : vector<16xi32> to vector<1x16xi32>
    tpu.vector_store %arg7[%swap3A_117, %swap3A_118], %swap3A_121 {strides = array<i32>} : memref<50x128xi32, #tpu.memory_space<vmem>>, vector<1x16xi32>,
    %get3A_122 = arith.constant 96 : index
    %get3A_123 = tpu.vector_load %arg6[%get3A_122] {strides = array<i32>} : memref<6400xi32, #tpu.memory_space<vmem>>, vector<16xi32>,
    %get3A_124 = vector.shape_cast %get3A_123 : vector<16xi32> to vector<16xi32>
    %add3A_125 = arith.constant 96 : i32
    %add3A_126 = arith.addi %mul3A_2, %add3A_125 : i32
    %add3A_127 = vector.broadcast %add3A_126 : i32 to vector<16xi32>
    %add3A_128 = arith.addi %add3A_127, %iota3A : vector<16xi32>
    %mul3A_129 = arith.constant 200 : i32
    %mul3A_130 = vector.broadcast %mul3A_129 : i32 to vector<16xi32>
    %mul3A_131 = arith.muli %get3A_124, %mul3A_130 : vector<16xi32>
    %rem3A_132 = arith.constant 200 : i32
    %rem3A_133 = vector.broadcast %rem3A_132 : i32 to vector<16xi32>
    %rem3A_134 = arith.remsi %add3A_128, %rem3A_133 : vector<16xi32>
    %add3A_135 = arith.addi %mul3A_131, %rem3A_134 : vector<16xi32>
    %swap3A_136 = arith.constant 0 : i32
    %swap3A_137 = arith.index_cast %swap3A_136 : i32 to index
    %swap3A_138 = arith.constant 96 : index
    %swap3A_139 = tpu.vector_load %arg7[%swap3A_137, %swap3A_138] {strides = array<i32>} : memref<50x128xi32, #tpu.memory_space<vmem>>, vector<1x16xi32>,
    %swap3A_140 = vector.shape_cast %swap3A_139 : vector<1x16xi32> to vector<16xi32>
    %swap3A_141 = vector.shape_cast %add3A_135 : vector<16xi32> to vector<1x16xi32>
    tpu.vector_store %arg7[%swap3A_137, %swap3A_138], %swap3A_141 {strides = array<i32>} : memref<50x128xi32, #tpu.memory_space<vmem>>, vector<1x16xi32>,
    %get3A_142 = arith.constant 112 : index
    %get3A_143 = tpu.vector_load %arg6[%get3A_142] {strides = array<i32>} : memref<6400xi32, #tpu.memory_space<vmem>>, vector<16xi32>,
    %get3A_144 = vector.shape_cast %get3A_143 : vector<16xi32> to vector<16xi32>
    %add3A_145 = arith.constant 112 : i32
    %add3A_146 = arith.addi %mul3A_2, %add3A_145 : i32
    %add3A_147 = vector.broadcast %add3A_146 : i32 to vector<16xi32>
    %add3A_148 = arith.addi %add3A_147, %iota3A : vector<16xi32>
    %mul3A_149 = arith.constant 200 : i32
    %mul3A_150 = vector.broadcast %mul3A_149 : i32 to vector<16xi32>
    %mul3A_151 = arith.muli %get3A_144, %mul3A_150 : vector<16xi32>
    %rem3A_152 = arith.constant 200 : i32
    %rem3A_153 = vector.broadcast %rem3A_152 : i32 to vector<16xi32>
    %rem3A_154 = arith.remsi %add3A_148, %rem3A_153 : vector<16xi32>
    %add3A_155 = arith.addi %mul3A_151, %rem3A_154 : vector<16xi32>
    %swap3A_156 = arith.constant 0 : i32
    %swap3A_157 = arith.index_cast %swap3A_156 : i32 to index
    %swap3A_158 = arith.constant 112 : index
    %swap3A_159 = tpu.vector_load %arg7[%swap3A_157, %swap3A_158] {strides = array<i32>} : memref<50x128xi32, #tpu.memory_space<vmem>>, vector<1x16xi32>,
    %swap3A_160 = vector.shape_cast %swap3A_159 : vector<1x16xi32> to vector<16xi32>
    %swap3A_161 = vector.shape_cast %add3A_155 : vector<16xi32> to vector<1x16xi32>
    tpu.vector_store %arg7[%swap3A_157, %swap3A_158], %swap3A_161 {strides = array<i32>} : memref<50x128xi32, #tpu.memory_space<vmem>>, vector<1x16xi32>,
    %dma_start3A = arith.constant 0 : i32
    %dma_start3A_162 = arith.constant 0 : i32
    %dma_start3A_163 = tpu.memref_slice %arg7[%dma_start3A, %dma_start3A_162] : memref<50x128xi32, #tpu.memory_space<vmem>> -> memref<1x128xi32, #tpu.memory_space<vmem>>
    %dma_start3A_164 = tpu.memref_squeeze %dma_start3A_163 : memref<1x128xi32, #tpu.memory_space<vmem>> -> memref<128xi32, #tpu.memory_space<vmem>>
    %dma_start3A_165 = arith.constant 0 : i32
    %dma_start3A_166 = arith.constant 0 : i32
    %dma_start3A_167 = tpu.memref_slice %arg5[%dma_start3A_165, %dma_start3A_166] : memref<600x128xf32, #tpu.memory_space<vmem_shared>> -> memref<600x128xf32, #tpu.memory_space<vmem_shared>>
    tpu.enqueue_indirect_dma source(%dma_start3A_167 : memref<600x128xf32, #tpu.memory_space<vmem_shared>>) target(%arg8 : memref<128x128xf32, #tpu.memory_space<vmem>>) offsets(%dma_start3A_164 : memref<128xi32, #tpu.memory_space<vmem>>) semaphore(%arg10 : memref<!tpu.dma_semaphore, #tpu.memory_space<semaphore_mem>>)
    %get3A_168 = arith.constant 128 : index
    %get3A_169 = tpu.vector_load %arg6[%get3A_168] {strides = array<i32>} : memref<6400xi32, #tpu.memory_space<vmem>>, vector<16xi32>,
    %get3A_170 = vector.shape_cast %get3A_169 : vector<16xi32> to vector<16xi32>
    %add3A_171 = arith.constant 128 : i32
    %add3A_172 = arith.addi %mul3A_2, %add3A_171 : i32
    %add3A_173 = vector.broadcast %add3A_172 : i32 to vector<16xi32>
    %add3A_174 = arith.addi %add3A_173, %iota3A : vector<16xi32>
    %mul3A_175 = arith.constant 200 : i32
    %mul3A_176 = vector.broadcast %mul3A_175 : i32 to vector<16xi32>
    %mul3A_177 = arith.muli %get3A_170, %mul3A_176 : vector<16xi32>
    %rem3A_178 = arith.constant 200 : i32
    %rem3A_179 = vector.broadcast %rem3A_178 : i32 to vector<16xi32>
    %rem3A_180 = arith.remsi %add3A_174, %rem3A_179 : vector<16xi32>
    %add3A_181 = arith.addi %mul3A_177, %rem3A_180 : vector<16xi32>
    %swap3A_182 = arith.constant 1 : i32
    %swap3A_183 = arith.index_cast %swap3A_182 : i32 to index
    %swap3A_184 = arith.constant 0 : index
    %swap3A_185 = tpu.vector_load %arg7[%swap3A_183, %swap3A_184] {strides = array<i32>} : memref<50x128xi32, #tpu.memory_space<vmem>>, vector<1x16xi32>,
    %swap3A_186 = vector.shape_cast %swap3A_185 : vector<1x16xi32> to vector<16xi32>
    %swap3A_187 = vector.shape_cast %add3A_181 : vector<16xi32> to vector<1x16xi32>
    tpu.vector_store %arg7[%swap3A_183, %swap3A_184], %swap3A_187 {strides = array<i32>} : memref<50x128xi32, #tpu.memory_space<vmem>>, vector<1x16xi32>,
    %get3A_188 = arith.constant 144 : index
    %get3A_189 = tpu.vector_load %arg6[%get3A_188] {strides = array<i32>} : memref<6400xi32, #tpu.memory_space<vmem>>, vector<16xi32>,
    %get3A_190 = vector.shape_cast %get3A_189 : vector<16xi32> to vector<16xi32>
    %add3A_191 = arith.constant 144 : i32
    %add3A_192 = arith.addi %mul3A_2, %add3A_191 : i32
    %add3A_193 = vector.broadcast %add3A_192 : i32 to vector<16xi32>
    %add3A_194 = arith.addi %add3A_193, %iota3A : vector<16xi32>
    %mul3A_195 = arith.constant 200 : i32
    %mul3A_196 = vector.broadcast %mul3A_195 : i32 to vector<16xi32>
    %mul3A_197 = arith.muli %get3A_190, %mul3A_196 : vector<16xi32>
    %rem3A_198 = arith.constant 200 : i32
    %rem3A_199 = vector.broadcast %rem3A_198 : i32 to vector<16xi32>
    %rem3A_200 = arith.remsi %add3A_194, %rem3A_199 : vector<16xi32>
    %add3A_201 = arith.addi %mul3A_197, %rem3A_200 : vector<16xi32>
    %swap3A_202 = arith.constant 1 : i32
    %swap3A_203 = arith.index_cast %swap3A_202 : i32 to index
    %swap3A_204 = arith.constant 16 : index
    %swap3A_205 = tpu.vector_load %arg7[%swap3A_203, %swap3A_204] {strides = array<i32>} : memref<50x128xi32, #tpu.memory_space<vmem>>, vector<1x16xi32>,
    %swap3A_206 = vector.shape_cast %swap3A_205 : vector<1x16xi32> to vector<16xi32>
    %swap3A_207 = vector.shape_cast %add3A_201 : vector<16xi32> to vector<1x16xi32>
    tpu.vector_store %arg7[%swap3A_203, %swap3A_204], %swap3A_207 {strides = array<i32>} : memref<50x128xi32, #tpu.memory_space<vmem>>, vector<1x16xi32>,
    %get3A_208 = arith.constant 160 : index
    %get3A_209 = tpu.vector_load %arg6[%get3A_208] {strides = array<i32>} : memref<6400xi32, #tpu.memory_space<vmem>>, vector<16xi32>,
    %get3A_210 = vector.shape_cast %get3A_209 : vector<16xi32> to vector<16xi32>
    %add3A_211 = arith.constant 160 : i32
    %add3A_212 = arith.addi %mul3A_2, %add3A_211 : i32
    %add3A_213 = vector.broadcast %add3A_212 : i32 to vector<16xi32>
    %add3A_214 = arith.addi %add3A_213, %iota3A : vector<16xi32>
    %mul3A_215 = arith.constant 200 : i32
    %mul3A_216 = vector.broadcast %mul3A_215 : i32 to vector<16xi32>
    %mul3A_217 = arith.muli %get3A_210, %mul3A_216 : vector<16xi32>
    %rem3A_218 = arith.constant 200 : i32
    %rem3A_219 = vector.broadcast %rem3A_218 : i32 to vector<16xi32>
    %rem3A_220 = arith.remsi %add3A_214, %rem3A_219 : vector<16xi32>
    %add3A_221 = arith.addi %mul3A_217, %rem3A_220 : vector<16xi32>
    %swap3A_222 = arith.constant 1 : i32
    %swap3A_223 = arith.index_cast %swap3A_222 : i32 to index
    %swap3A_224 = arith.constant 32 : index
    %swap3A_225 = tpu.vector_load %arg7[%swap3A_223, %swap3A_224] {strides = array<i32>} : memref<50x128xi32, #tpu.memory_space<vmem>>, vector<1x16xi32>,
    %swap3A_226 = vector.shape_cast %swap3A_225 : vector<1x16xi32> to vector<16xi32>
    %swap3A_227 = vector.shape_cast %add3A_221 : vector<16xi32> to vector<1x16xi32>
    tpu.vector_store %arg7[%swap3A_223, %swap3A_224], %swap3A_227 {strides = array<i32>} : memref<50x128xi32, #tpu.memory_space<vmem>>, vector<1x16xi32>,
    %get3A_228 = arith.constant 176 : index
    %get3A_229 = tpu.vector_load %arg6[%get3A_228] {strides = array<i32>} : memref<6400xi32, #tpu.memory_space<vmem>>, vector<16xi32>,
    %get3A_230 = vector.shape_cast %get3A_229 : vector<16xi32> to vector<16xi32>
    %add3A_231 = arith.constant 176 : i32
    %add3A_232 = arith.addi %mul3A_2, %add3A_231 : i32
    %add3A_233 = vector.broadcast %add3A_232 : i32 to vector<16xi32>
    %add3A_234 = arith.addi %add3A_233, %iota3A : vector<16xi32>
    %mul3A_235 = arith.constant 200 : i32
    %mul3A_236 = vector.broadcast %mul3A_235 : i32 to vector<16xi32>
    %mul3A_237 = arith.muli %get3A_230, %mul3A_236 : vector<16xi32>
    %rem3A_238 = arith.constant 200 : i32
    %rem3A_239 = vector.broadcast %rem3A_238 : i32 to vector<16xi32>
    %rem3A_240 = arith.remsi %add3A_234, %rem3A_239 : vector<16xi32>
    %add3A_241 = arith.addi %mul3A_237, %rem3A_240 : vector<16xi32>
    %swap3A_242 = arith.constant 1 : i32
    %swap3A_243 = arith.index_cast %swap3A_242 : i32 to index
    %swap3A_244 = arith.constant 48 : index
    %swap3A_245 = tpu.vector_load %arg7[%swap3A_243, %swap3A_244] {strides = array<i32>} : memref<50x128xi32, #tpu.memory_space<vmem>>, vector<1x16xi32>,
    %swap3A_246 = vector.shape_cast %swap3A_245 : vector<1x16xi32> to vector<16xi32>
    %swap3A_247 = vector.shape_cast %add3A_241 : vector<16xi32> to vector<1x16xi32>
    tpu.vector_store %arg7[%swap3A_243, %swap3A_244], %swap3A_247 {strides = array<i32>} : memref<50x128xi32, #tpu.memory_space<vmem>>, vector<1x16xi32>,
    %get3A_248 = arith.constant 192 : index
    %get3A_249 = tpu.vector_load %arg6[%get3A_248] {strides = array<i32>} : memref<6400xi32, #tpu.memory_space<vmem>>, vector<16xi32>,
    %get3A_250 = vector.shape_cast %get3A_249 : vector<16xi32> to vector<16xi32>
    %add3A_251 = arith.constant 192 : i32
    %add3A_252 = arith.addi %mul3A_2, %add3A_251 : i32
    %add3A_253 = vector.broadcast %add3A_252 : i32 to vector<16xi32>
    %add3A_254 = arith.addi %add3A_253, %iota3A : vector<16xi32>
    %mul3A_255 = arith.constant 200 : i32
    %mul3A_256 = vector.broadcast %mul3A_255 : i32 to vector<16xi32>
    %mul3A_257 = arith.muli %get3A_250, %mul3A_256 : vector<16xi32>
    %rem3A_258 = arith.constant 200 : i32
    %rem3A_259 = vector.broadcast %rem3A_258 : i32 to vector<16xi32>
    %rem3A_260 = arith.remsi %add3A_254, %rem3A_259 : vector<16xi32>
    %add3A_261 = arith.addi %mul3A_257, %rem3A_260 : vector<16xi32>
    %swap3A_262 = arith.constant 1 : i32
    %swap3A_263 = arith.index_cast %swap3A_262 : i32 to index
    %swap3A_264 = arith.constant 64 : index
    %swap3A_265 = tpu.vector_load %arg7[%swap3A_263, %swap3A_264] {strides = array<i32>} : memref<50x128xi32, #tpu.memory_space<vmem>>, vector<1x16xi32>,
    %swap3A_266 = vector.shape_cast %swap3A_265 : vector<1x16xi32> to vector<16xi32>
    %swap3A_267 = vector.shape_cast %add3A_261 : vector<16xi32> to vector<1x16xi32>
    tpu.vector_store %arg7[%swap3A_263, %swap3A_264], %swap3A_267 {strides = array<i32>} : memref<50x128xi32, #tpu.memory_space<vmem>>, vector<1x16xi32>,
    %get3A_268 = arith.constant 208 : index
    %get3A_269 = tpu.vector_load %arg6[%get3A_268] {strides = array<i32>} : memref<6400xi32, #tpu.memory_space<vmem>>, vector<16xi32>,
    %get3A_270 = vector.shape_cast %get3A_269 : vector<16xi32> to vector<16xi32>
    %add3A_271 = arith.constant 208 : i32
    %add3A_272 = arith.addi %mul3A_2, %add3A_271 : i32
    %add3A_273 = vector.broadcast %add3A_272 : i32 to vector<16xi32>
    %add3A_274 = arith.addi %add3A_273, %iota3A : vector<16xi32>
    %mul3A_275 = arith.constant 200 : i32
    %mul3A_276 = vector.broadcast %mul3A_275 : i32 to vector<16xi32>
    %mul3A_277 = arith.muli %get3A_270, %mul3A_276 : vector<16xi32>
    %rem3A_278 = arith.constant 200 : i32
    %rem3A_279 = vector.broadcast %rem3A_278 : i32 to vector<16xi32>
    %rem3A_280 = arith.remsi %add3A_274, %rem3A_279 : vector<16xi32>
    %add3A_281 = arith.addi %mul3A_277, %rem3A_280 : vector<16xi32>
    %swap3A_282 = arith.constant 1 : i32
    %swap3A_283 = arith.index_cast %swap3A_282 : i32 to index
    %swap3A_284 = arith.constant 80 : index
    %swap3A_285 = tpu.vector_load %arg7[%swap3A_283, %swap3A_284] {strides = array<i32>} : memref<50x128xi32, #tpu.memory_space<vmem>>, vector<1x16xi32>,
    %swap3A_286 = vector.shape_cast %swap3A_285 : vector<1x16xi32> to vector<16xi32>
    %swap3A_287 = vector.shape_cast %add3A_281 : vector<16xi32> to vector<1x16xi32>
    tpu.vector_store %arg7[%swap3A_283, %swap3A_284], %swap3A_287 {strides = array<i32>} : memref<50x128xi32, #tpu.memory_space<vmem>>, vector<1x16xi32>,
    %get3A_288 = arith.constant 224 : index
    %get3A_289 = tpu.vector_load %arg6[%get3A_288] {strides = array<i32>} : memref<6400xi32, #tpu.memory_space<vmem>>, vector<16xi32>,
    %get3A_290 = vector.shape_cast %get3A_289 : vector<16xi32> to vector<16xi32>
    %add3A_291 = arith.constant 224 : i32
    %add3A_292 = arith.addi %mul3A_2, %add3A_291 : i32
    %add3A_293 = vector.broadcast %add3A_292 : i32 to vector<16xi32>
    %add3A_294 = arith.addi %add3A_293, %iota3A : vector<16xi32>
    %mul3A_295 = arith.constant 200 : i32
    %mul3A_296 = vector.broadcast %mul3A_295 : i32 to vector<16xi32>
    %mul3A_297 = arith.muli %get3A_290, %mul3A_296 : vector<16xi32>
    %rem3A_298 = arith.constant 200 : i32
    %rem3A_299 = vector.broadcast %rem3A_298 : i32 to vector<16xi32>
    %rem3A_300 = arith.remsi %add3A_294, %rem3A_299 : vector<16xi32>
    %add3A_301 = arith.addi %mul3A_297, %rem3A_300 : vector<16xi32>
    %swap3A_302 = arith.constant 1 : i32
    %swap3A_303 = arith.index_cast %swap3A_302 : i32 to index
    %swap3A_304 = arith.constant 96 : index
    %swap3A_305 = tpu.vector_load %arg7[%swap3A_303, %swap3A_304] {strides = array<i32>} : memref<50x128xi32, #tpu.memory_space<vmem>>, vector<1x16xi32>,
    %swap3A_306 = vector.shape_cast %swap3A_305 : vector<1x16xi32> to vector<16xi32>
    %swap3A_307 = vector.shape_cast %add3A_301 : vector<16xi32> to vector<1x16xi32>
    tpu.vector_store %arg7[%swap3A_303, %swap3A_304], %swap3A_307 {strides = array<i32>} : memref<50x128xi32, #tpu.memory_space<vmem>>, vector<1x16xi32>,
    %get3A_308 = arith.constant 240 : index
    %get3A_309 = tpu.vector_load %arg6[%get3A_308] {strides = array<i32>} : memref<6400xi32, #tpu.memory_space<vmem>>, vector<16xi32>,
    %get3A_310 = vector.shape_cast %get3A_309 : vector<16xi32> to vector<16xi32>
    %add3A_311 = arith.constant 240 : i32
    %add3A_312 = arith.addi %mul3A_2, %add3A_311 : i32
    %add3A_313 = vector.broadcast %add3A_312 : i32 to vector<16xi32>
    %add3A_314 = arith.addi %add3A_313, %iota3A : vector<16xi32>
    %mul3A_315 = arith.constant 200 : i32
    %mul3A_316 = vector.broadcast %mul3A_315 : i32 to vector<16xi32>
    %mul3A_317 = arith.muli %get3A_310, %mul3A_316 : vector<16xi32>
    %rem3A_318 = arith.constant 200 : i32
    %rem3A_319 = vector.broadcast %rem3A_318 : i32 to vector<16xi32>
    %rem3A_320 = arith.remsi %add3A_314, %rem3A_319 : vector<16xi32>
    %add3A_321 = arith.addi %mul3A_317, %rem3A_320 : vector<16xi32>
    %swap3A_322 = arith.constant 1 : i32
    %swap3A_323 = arith.index_cast %swap3A_322 : i32 to index
    %swap3A_324 = arith.constant 112 : index
    %swap3A_325 = tpu.vector_load %arg7[%swap3A_323, %swap3A_324] {strides = array<i32>} : memref<50x128xi32, #tpu.memory_space<vmem>>, vector<1x16xi32>,
    %swap3A_326 = vector.shape_cast %swap3A_325 : vector<1x16xi32> to vector<16xi32>
    %swap3A_327 = vector.shape_cast %add3A_321 : vector<16xi32> to vector<1x16xi32>
    tpu.vector_store %arg7[%swap3A_323, %swap3A_324], %swap3A_327 {strides = array<i32>} : memref<50x128xi32, #tpu.memory_space<vmem>>, vector<1x16xi32>,
    %dma_start3A_328 = arith.constant 1 : i32
    %dma_start3A_329 = arith.constant 0 : i32
    %dma_start3A_330 = tpu.memref_slice %arg7[%dma_start3A_328, %dma_start3A_329] : memref<50x128xi32, #tpu.memory_space<vmem>> -> memref<1x128xi32, #tpu.memory_space<vmem>>
    %dma_start3A_331 = tpu.memref_squeeze %dma_start3A_330 : memref<1x128xi32, #tpu.memory_space<vmem>> -> memref<128xi32, #tpu.memory_space<vmem>>
    %dma_start3A_332 = arith.constant 0 : i32
    %dma_start3A_333 = arith.constant 0 : i32
    %dma_start3A_334 = tpu.memref_slice %arg5[%dma_start3A_332, %dma_start3A_333] : memref<600x128xf32, #tpu.memory_space<vmem_shared>> -> memref<600x128xf32, #tpu.memory_space<vmem_shared>>
    tpu.enqueue_indirect_dma source(%dma_start3A_334 : memref<600x128xf32, #tpu.memory_space<vmem_shared>>) target(%arg9 : memref<128x128xf32, #tpu.memory_space<vmem>>) offsets(%dma_start3A_331 : memref<128xi32, #tpu.memory_space<vmem>>) semaphore(%arg11 : memref<!tpu.dma_semaphore, #tpu.memory_space<semaphore_mem>>)
    %scan3A = arith.constant 0 : i32
    %scan3A_335 = arith.constant 0 : i32
    %scan3A_336 = arith.constant 24 : i32
    %scan3A_337 = arith.addi %scan3A_335, %scan3A_336 : i32
    %scan3A_338 = arith.constant 1 : i32
    scf.for %scan3A_377 = %scan3A_335 to %scan3A_337 step %scan3A_338  : i32 {
      %mul3A_378 = arith.constant 2 : i32
      %mul3A_379 = arith.muli %mul3A_378, %scan3A_377 : i32
      %add3A_380 = arith.constant 0 : i32
      %add3A_381 = arith.addi %mul3A_379, %add3A_380 : i32
      %dma_wait3A_382 = arith.constant 0 : i32
      %dma_wait3A_383 = tpu.memref_slice %arg7[%add3A_381, %dma_wait3A_382] : memref<50x128xi32, #tpu.memory_space<vmem>> -> memref<1x128xi32, #tpu.memory_space<vmem>>
      %dma_wait3A_384 = tpu.memref_squeeze %dma_wait3A_383 : memref<1x128xi32, #tpu.memory_space<vmem>> -> memref<128xi32, #tpu.memory_space<vmem>>
      %dma_wait3A_385 = arith.constant 0 : i32
      %dma_wait3A_386 = arith.constant 0 : i32
      %dma_wait3A_387 = tpu.memref_slice %arg5[%dma_wait3A_385, %dma_wait3A_386] : memref<600x128xf32, #tpu.memory_space<vmem_shared>> -> memref<600x128xf32, #tpu.memory_space<vmem_shared>>
      tpu.wait_indirect_dma semaphore(%arg10 : memref<!tpu.dma_semaphore, #tpu.memory_space<semaphore_mem>>) src(%dma_wait3A_387 : memref<600x128xf32, #tpu.memory_space<vmem_shared>>) dst(%arg8 : memref<128x128xf32, #tpu.memory_space<vmem>>)
      %mul3A_388 = arith.constant 128 : i32
      %mul3A_389 = arith.muli %add3A_381, %mul3A_388 : i32
      %add3A_390 = arith.addi %mul3A_2, %mul3A_389 : i32
      %dma_start3A_391 = arith.constant 0 : i32
      %dma_start3A_392 = tpu.memref_slice %arg4[%add3A_390, %dma_start3A_391] : memref<204800x128xf32, #tpu.memory_space<hbm>> -> memref<128x128xf32, #tpu.memory_space<hbm>>
      %dma_start3A_393 = arith.constant 0 : i32
      %dma_start3A_394 = tpu.memref_slice %arg4[%add3A_390, %dma_start3A_393] : memref<204800x128xf32, #tpu.memory_space<hbm>> -> memref<128x128xf32, #tpu.memory_space<hbm>>
      tpu.enqueue_dma source(%arg8 : memref<128x128xf32, #tpu.memory_space<vmem>>) target(%dma_start3A_394 : memref<128x128xf32, #tpu.memory_space<hbm>>) target_semaphore(%arg12 : memref<!tpu.dma_semaphore, #tpu.memory_space<semaphore_mem>>)
      %add3A_395 = arith.constant 2 : i32
      %add3A_396 = arith.addi %add3A_381, %add3A_395 : i32
      %mul3A_397 = arith.constant 128 : i32
      %mul3A_398 = arith.muli %add3A_396, %mul3A_397 : i32
      %add3A_399 = arith.constant 0 : i32
      %add3A_400 = arith.addi %mul3A_398, %add3A_399 : i32
      %get3A_401 = arith.index_cast %add3A_400 : i32 to index
      %get3A_402 = tpu.vector_load %arg6[%get3A_401] {strides = array<i32>} : memref<6400xi32, #tpu.memory_space<vmem>>, vector<16xi32>,
      %get3A_403 = vector.shape_cast %get3A_402 : vector<16xi32> to vector<16xi32>
      %add3A_404 = arith.addi %mul3A_2, %add3A_400 : i32
      %add3A_405 = vector.broadcast %add3A_404 : i32 to vector<16xi32>
      %add3A_406 = arith.addi %add3A_405, %iota3A : vector<16xi32>
      %mul3A_407 = arith.constant 200 : i32
      %mul3A_408 = vector.broadcast %mul3A_407 : i32 to vector<16xi32>
      %mul3A_409 = arith.muli %get3A_403, %mul3A_408 : vector<16xi32>
      %rem3A_410 = arith.constant 200 : i32
      %rem3A_411 = vector.broadcast %rem3A_410 : i32 to vector<16xi32>
      %rem3A_412 = arith.remsi %add3A_406, %rem3A_411 : vector<16xi32>
      %add3A_413 = arith.addi %mul3A_409, %rem3A_412 : vector<16xi32>
      %swap3A_414 = arith.index_cast %add3A_396 : i32 to index
      %swap3A_415 = arith.constant 0 : index
      %swap3A_416 = tpu.vector_load %arg7[%swap3A_414, %swap3A_415] {strides = array<i32>} : memref<50x128xi32, #tpu.memory_space<vmem>>, vector<1x16xi32>,
      %swap3A_417 = vector.shape_cast %swap3A_416 : vector<1x16xi32> to vector<16xi32>
      %swap3A_418 = vector.shape_cast %add3A_413 : vector<16xi32> to vector<1x16xi32>
      tpu.vector_store %arg7[%swap3A_414, %swap3A_415], %swap3A_418 {strides = array<i32>} : memref<50x128xi32, #tpu.memory_space<vmem>>, vector<1x16xi32>,
      %mul3A_419 = arith.constant 128 : i32
      %mul3A_420 = arith.muli %add3A_396, %mul3A_419 : i32
      %add3A_421 = arith.constant 16 : i32
      %add3A_422 = arith.addi %mul3A_420, %add3A_421 : i32
      %get3A_423 = arith.index_cast %add3A_422 : i32 to index
      %get3A_424 = tpu.vector_load %arg6[%get3A_423] {strides = array<i32>} : memref<6400xi32, #tpu.memory_space<vmem>>, vector<16xi32>,
      %get3A_425 = vector.shape_cast %get3A_424 : vector<16xi32> to vector<16xi32>
      %add3A_426 = arith.addi %mul3A_2, %add3A_422 : i32
      %add3A_427 = vector.broadcast %add3A_426 : i32 to vector<16xi32>
      %add3A_428 = arith.addi %add3A_427, %iota3A : vector<16xi32>
      %mul3A_429 = arith.constant 200 : i32
      %mul3A_430 = vector.broadcast %mul3A_429 : i32 to vector<16xi32>
      %mul3A_431 = arith.muli %get3A_425, %mul3A_430 : vector<16xi32>
      %rem3A_432 = arith.constant 200 : i32
      %rem3A_433 = vector.broadcast %rem3A_432 : i32 to vector<16xi32>
      %rem3A_434 = arith.remsi %add3A_428, %rem3A_433 : vector<16xi32>
      %add3A_435 = arith.addi %mul3A_431, %rem3A_434 : vector<16xi32>
      %swap3A_436 = arith.index_cast %add3A_396 : i32 to index
      %swap3A_437 = arith.constant 16 : index
      %swap3A_438 = tpu.vector_load %arg7[%swap3A_436, %swap3A_437] {strides = array<i32>} : memref<50x128xi32, #tpu.memory_space<vmem>>, vector<1x16xi32>,
      %swap3A_439 = vector.shape_cast %swap3A_438 : vector<1x16xi32> to vector<16xi32>
      %swap3A_440 = vector.shape_cast %add3A_435 : vector<16xi32> to vector<1x16xi32>
      tpu.vector_store %arg7[%swap3A_436, %swap3A_437], %swap3A_440 {strides = array<i32>} : memref<50x128xi32, #tpu.memory_space<vmem>>, vector<1x16xi32>,
      %mul3A_441 = arith.constant 128 : i32
      %mul3A_442 = arith.muli %add3A_396, %mul3A_441 : i32
      %add3A_443 = arith.constant 32 : i32
      %add3A_444 = arith.addi %mul3A_442, %add3A_443 : i32
      %get3A_445 = arith.index_cast %add3A_444 : i32 to index
      %get3A_446 = tpu.vector_load %arg6[%get3A_445] {strides = array<i32>} : memref<6400xi32, #tpu.memory_space<vmem>>, vector<16xi32>,
      %get3A_447 = vector.shape_cast %get3A_446 : vector<16xi32> to vector<16xi32>
      %add3A_448 = arith.addi %mul3A_2, %add3A_444 : i32
      %add3A_449 = vector.broadcast %add3A_448 : i32 to vector<16xi32>
      %add3A_450 = arith.addi %add3A_449, %iota3A : vector<16xi32>
      %mul3A_451 = arith.constant 200 : i32
      %mul3A_452 = vector.broadcast %mul3A_451 : i32 to vector<16xi32>
      %mul3A_453 = arith.muli %get3A_447, %mul3A_452 : vector<16xi32>
      %rem3A_454 = arith.constant 200 : i32
      %rem3A_455 = vector.broadcast %rem3A_454 : i32 to vector<16xi32>
      %rem3A_456 = arith.remsi %add3A_450, %rem3A_455 : vector<16xi32>
      %add3A_457 = arith.addi %mul3A_453, %rem3A_456 : vector<16xi32>
      %swap3A_458 = arith.index_cast %add3A_396 : i32 to index
      %swap3A_459 = arith.constant 32 : index
      %swap3A_460 = tpu.vector_load %arg7[%swap3A_458, %swap3A_459] {strides = array<i32>} : memref<50x128xi32, #tpu.memory_space<vmem>>, vector<1x16xi32>,
      %swap3A_461 = vector.shape_cast %swap3A_460 : vector<1x16xi32> to vector<16xi32>
      %swap3A_462 = vector.shape_cast %add3A_457 : vector<16xi32> to vector<1x16xi32>
      tpu.vector_store %arg7[%swap3A_458, %swap3A_459], %swap3A_462 {strides = array<i32>} : memref<50x128xi32, #tpu.memory_space<vmem>>, vector<1x16xi32>,
      %mul3A_463 = arith.constant 128 : i32
      %mul3A_464 = arith.muli %add3A_396, %mul3A_463 : i32
      %add3A_465 = arith.constant 48 : i32
      %add3A_466 = arith.addi %mul3A_464, %add3A_465 : i32
      %get3A_467 = arith.index_cast %add3A_466 : i32 to index
      %get3A_468 = tpu.vector_load %arg6[%get3A_467] {strides = array<i32>} : memref<6400xi32, #tpu.memory_space<vmem>>, vector<16xi32>,
      %get3A_469 = vector.shape_cast %get3A_468 : vector<16xi32> to vector<16xi32>
      %add3A_470 = arith.addi %mul3A_2, %add3A_466 : i32
      %add3A_471 = vector.broadcast %add3A_470 : i32 to vector<16xi32>
      %add3A_472 = arith.addi %add3A_471, %iota3A : vector<16xi32>
      %mul3A_473 = arith.constant 200 : i32
      %mul3A_474 = vector.broadcast %mul3A_473 : i32 to vector<16xi32>
      %mul3A_475 = arith.muli %get3A_469, %mul3A_474 : vector<16xi32>
      %rem3A_476 = arith.constant 200 : i32
      %rem3A_477 = vector.broadcast %rem3A_476 : i32 to vector<16xi32>
      %rem3A_478 = arith.remsi %add3A_472, %rem3A_477 : vector<16xi32>
      %add3A_479 = arith.addi %mul3A_475, %rem3A_478 : vector<16xi32>
      %swap3A_480 = arith.index_cast %add3A_396 : i32 to index
      %swap3A_481 = arith.constant 48 : index
      %swap3A_482 = tpu.vector_load %arg7[%swap3A_480, %swap3A_481] {strides = array<i32>} : memref<50x128xi32, #tpu.memory_space<vmem>>, vector<1x16xi32>,
      %swap3A_483 = vector.shape_cast %swap3A_482 : vector<1x16xi32> to vector<16xi32>
      %swap3A_484 = vector.shape_cast %add3A_479 : vector<16xi32> to vector<1x16xi32>
      tpu.vector_store %arg7[%swap3A_480, %swap3A_481], %swap3A_484 {strides = array<i32>} : memref<50x128xi32, #tpu.memory_space<vmem>>, vector<1x16xi32>,
      %mul3A_485 = arith.constant 128 : i32
      %mul3A_486 = arith.muli %add3A_396, %mul3A_485 : i32
      %add3A_487 = arith.constant 64 : i32
      %add3A_488 = arith.addi %mul3A_486, %add3A_487 : i32
      %get3A_489 = arith.index_cast %add3A_488 : i32 to index
      %get3A_490 = tpu.vector_load %arg6[%get3A_489] {strides = array<i32>} : memref<6400xi32, #tpu.memory_space<vmem>>, vector<16xi32>,
      %get3A_491 = vector.shape_cast %get3A_490 : vector<16xi32> to vector<16xi32>
      %add3A_492 = arith.addi %mul3A_2, %add3A_488 : i32
      %add3A_493 = vector.broadcast %add3A_492 : i32 to vector<16xi32>
      %add3A_494 = arith.addi %add3A_493, %iota3A : vector<16xi32>
      %mul3A_495 = arith.constant 200 : i32
      %mul3A_496 = vector.broadcast %mul3A_495 : i32 to vector<16xi32>
      %mul3A_497 = arith.muli %get3A_491, %mul3A_496 : vector<16xi32>
      %rem3A_498 = arith.constant 200 : i32
      %rem3A_499 = vector.broadcast %rem3A_498 : i32 to vector<16xi32>
      %rem3A_500 = arith.remsi %add3A_494, %rem3A_499 : vector<16xi32>
      %add3A_501 = arith.addi %mul3A_497, %rem3A_500 : vector<16xi32>
      %swap3A_502 = arith.index_cast %add3A_396 : i32 to index
      %swap3A_503 = arith.constant 64 : index
      %swap3A_504 = tpu.vector_load %arg7[%swap3A_502, %swap3A_503] {strides = array<i32>} : memref<50x128xi32, #tpu.memory_space<vmem>>, vector<1x16xi32>,
      %swap3A_505 = vector.shape_cast %swap3A_504 : vector<1x16xi32> to vector<16xi32>
      %swap3A_506 = vector.shape_cast %add3A_501 : vector<16xi32> to vector<1x16xi32>
      tpu.vector_store %arg7[%swap3A_502, %swap3A_503], %swap3A_506 {strides = array<i32>} : memref<50x128xi32, #tpu.memory_space<vmem>>, vector<1x16xi32>,
      %mul3A_507 = arith.constant 128 : i32
      %mul3A_508 = arith.muli %add3A_396, %mul3A_507 : i32
      %add3A_509 = arith.constant 80 : i32
      %add3A_510 = arith.addi %mul3A_508, %add3A_509 : i32
      %get3A_511 = arith.index_cast %add3A_510 : i32 to index
      %get3A_512 = tpu.vector_load %arg6[%get3A_511] {strides = array<i32>} : memref<6400xi32, #tpu.memory_space<vmem>>, vector<16xi32>,
      %get3A_513 = vector.shape_cast %get3A_512 : vector<16xi32> to vector<16xi32>
      %add3A_514 = arith.addi %mul3A_2, %add3A_510 : i32
      %add3A_515 = vector.broadcast %add3A_514 : i32 to vector<16xi32>
      %add3A_516 = arith.addi %add3A_515, %iota3A : vector<16xi32>
      %mul3A_517 = arith.constant 200 : i32
      %mul3A_518 = vector.broadcast %mul3A_517 : i32 to vector<16xi32>
      %mul3A_519 = arith.muli %get3A_513, %mul3A_518 : vector<16xi32>
      %rem3A_520 = arith.constant 200 : i32
      %rem3A_521 = vector.broadcast %rem3A_520 : i32 to vector<16xi32>
      %rem3A_522 = arith.remsi %add3A_516, %rem3A_521 : vector<16xi32>
      %add3A_523 = arith.addi %mul3A_519, %rem3A_522 : vector<16xi32>
      %swap3A_524 = arith.index_cast %add3A_396 : i32 to index
      %swap3A_525 = arith.constant 80 : index
      %swap3A_526 = tpu.vector_load %arg7[%swap3A_524, %swap3A_525] {strides = array<i32>} : memref<50x128xi32, #tpu.memory_space<vmem>>, vector<1x16xi32>,
      %swap3A_527 = vector.shape_cast %swap3A_526 : vector<1x16xi32> to vector<16xi32>
      %swap3A_528 = vector.shape_cast %add3A_523 : vector<16xi32> to vector<1x16xi32>
      tpu.vector_store %arg7[%swap3A_524, %swap3A_525], %swap3A_528 {strides = array<i32>} : memref<50x128xi32, #tpu.memory_space<vmem>>, vector<1x16xi32>,
      %mul3A_529 = arith.constant 128 : i32
      %mul3A_530 = arith.muli %add3A_396, %mul3A_529 : i32
      %add3A_531 = arith.constant 96 : i32
      %add3A_532 = arith.addi %mul3A_530, %add3A_531 : i32
      %get3A_533 = arith.index_cast %add3A_532 : i32 to index
      %get3A_534 = tpu.vector_load %arg6[%get3A_533] {strides = array<i32>} : memref<6400xi32, #tpu.memory_space<vmem>>, vector<16xi32>,
      %get3A_535 = vector.shape_cast %get3A_534 : vector<16xi32> to vector<16xi32>
      %add3A_536 = arith.addi %mul3A_2, %add3A_532 : i32
      %add3A_537 = vector.broadcast %add3A_536 : i32 to vector<16xi32>
      %add3A_538 = arith.addi %add3A_537, %iota3A : vector<16xi32>
      %mul3A_539 = arith.constant 200 : i32
      %mul3A_540 = vector.broadcast %mul3A_539 : i32 to vector<16xi32>
      %mul3A_541 = arith.muli %get3A_535, %mul3A_540 : vector<16xi32>
      %rem3A_542 = arith.constant 200 : i32
      %rem3A_543 = vector.broadcast %rem3A_542 : i32 to vector<16xi32>
      %rem3A_544 = arith.remsi %add3A_538, %rem3A_543 : vector<16xi32>
      %add3A_545 = arith.addi %mul3A_541, %rem3A_544 : vector<16xi32>
      %swap3A_546 = arith.index_cast %add3A_396 : i32 to index
      %swap3A_547 = arith.constant 96 : index
      %swap3A_548 = tpu.vector_load %arg7[%swap3A_546, %swap3A_547] {strides = array<i32>} : memref<50x128xi32, #tpu.memory_space<vmem>>, vector<1x16xi32>,
      %swap3A_549 = vector.shape_cast %swap3A_548 : vector<1x16xi32> to vector<16xi32>
      %swap3A_550 = vector.shape_cast %add3A_545 : vector<16xi32> to vector<1x16xi32>
      tpu.vector_store %arg7[%swap3A_546, %swap3A_547], %swap3A_550 {strides = array<i32>} : memref<50x128xi32, #tpu.memory_space<vmem>>, vector<1x16xi32>,
      %mul3A_551 = arith.constant 128 : i32
      %mul3A_552 = arith.muli %add3A_396, %mul3A_551 : i32
      %add3A_553 = arith.constant 112 : i32
      %add3A_554 = arith.addi %mul3A_552, %add3A_553 : i32
      %get3A_555 = arith.index_cast %add3A_554 : i32 to index
      %get3A_556 = tpu.vector_load %arg6[%get3A_555] {strides = array<i32>} : memref<6400xi32, #tpu.memory_space<vmem>>, vector<16xi32>,
      %get3A_557 = vector.shape_cast %get3A_556 : vector<16xi32> to vector<16xi32>
      %add3A_558 = arith.addi %mul3A_2, %add3A_554 : i32
      %add3A_559 = vector.broadcast %add3A_558 : i32 to vector<16xi32>
      %add3A_560 = arith.addi %add3A_559, %iota3A : vector<16xi32>
      %mul3A_561 = arith.constant 200 : i32
      %mul3A_562 = vector.broadcast %mul3A_561 : i32 to vector<16xi32>
      %mul3A_563 = arith.muli %get3A_557, %mul3A_562 : vector<16xi32>
      %rem3A_564 = arith.constant 200 : i32
      %rem3A_565 = vector.broadcast %rem3A_564 : i32 to vector<16xi32>
      %rem3A_566 = arith.remsi %add3A_560, %rem3A_565 : vector<16xi32>
      %add3A_567 = arith.addi %mul3A_563, %rem3A_566 : vector<16xi32>
      %swap3A_568 = arith.index_cast %add3A_396 : i32 to index
      %swap3A_569 = arith.constant 112 : index
      %swap3A_570 = tpu.vector_load %arg7[%swap3A_568, %swap3A_569] {strides = array<i32>} : memref<50x128xi32, #tpu.memory_space<vmem>>, vector<1x16xi32>,
      %swap3A_571 = vector.shape_cast %swap3A_570 : vector<1x16xi32> to vector<16xi32>
      %swap3A_572 = vector.shape_cast %add3A_567 : vector<16xi32> to vector<1x16xi32>
      tpu.vector_store %arg7[%swap3A_568, %swap3A_569], %swap3A_572 {strides = array<i32>} : memref<50x128xi32, #tpu.memory_space<vmem>>, vector<1x16xi32>,
      %mul3A_573 = arith.constant 128 : i32
      %mul3A_574 = arith.muli %add3A_381, %mul3A_573 : i32
      %add3A_575 = arith.addi %mul3A_2, %mul3A_574 : i32
      %dma_wait3A_576 = arith.constant 0 : i32
      %dma_wait3A_577 = tpu.memref_slice %arg4[%add3A_575, %dma_wait3A_576] : memref<204800x128xf32, #tpu.memory_space<hbm>> -> memref<128x128xf32, #tpu.memory_space<hbm>>
      %dma_wait3A_578 = arith.constant 0 : i32
      %dma_wait3A_579 = tpu.memref_slice %arg4[%add3A_575, %dma_wait3A_578] : memref<204800x128xf32, #tpu.memory_space<hbm>> -> memref<128x128xf32, #tpu.memory_space<hbm>>
      tpu.wait_dma2 semaphore(%arg12 : memref<!tpu.dma_semaphore, #tpu.memory_space<semaphore_mem>>) src(%arg8 : memref<128x128xf32, #tpu.memory_space<vmem>>) dst(%dma_wait3A_579 : memref<128x128xf32, #tpu.memory_space<hbm>>)
      %add3A_580 = arith.constant 2 : i32
      %add3A_581 = arith.addi %add3A_381, %add3A_580 : i32
      %dma_start3A_582 = arith.constant 0 : i32
      %dma_start3A_583 = tpu.memref_slice %arg7[%add3A_581, %dma_start3A_582] : memref<50x128xi32, #tpu.memory_space<vmem>> -> memref<1x128xi32, #tpu.memory_space<vmem>>
      %dma_start3A_584 = tpu.memref_squeeze %dma_start3A_583 : memref<1x128xi32, #tpu.memory_space<vmem>> -> memref<128xi32, #tpu.memory_space<vmem>>
      %dma_start3A_585 = arith.constant 0 : i32
      %dma_start3A_586 = arith.constant 0 : i32
      %dma_start3A_587 = tpu.memref_slice %arg5[%dma_start3A_585, %dma_start3A_586] : memref<600x128xf32, #tpu.memory_space<vmem_shared>> -> memref<600x128xf32, #tpu.memory_space<vmem_shared>>
      tpu.enqueue_indirect_dma source(%dma_start3A_587 : memref<600x128xf32, #tpu.memory_space<vmem_shared>>) target(%arg8 : memref<128x128xf32, #tpu.memory_space<vmem>>) offsets(%dma_start3A_584 : memref<128xi32, #tpu.memory_space<vmem>>) semaphore(%arg10 : memref<!tpu.dma_semaphore, #tpu.memory_space<semaphore_mem>>)
      %add3A_588 = arith.constant 1 : i32
      %add3A_589 = arith.addi %mul3A_379, %add3A_588 : i32
      %dma_wait3A_590 = arith.constant 0 : i32
      %dma_wait3A_591 = tpu.memref_slice %arg7[%add3A_589, %dma_wait3A_590] : memref<50x128xi32, #tpu.memory_space<vmem>> -> memref<1x128xi32, #tpu.memory_space<vmem>>
      %dma_wait3A_592 = tpu.memref_squeeze %dma_wait3A_591 : memref<1x128xi32, #tpu.memory_space<vmem>> -> memref<128xi32, #tpu.memory_space<vmem>>
      %dma_wait3A_593 = arith.constant 0 : i32
      %dma_wait3A_594 = arith.constant 0 : i32
      %dma_wait3A_595 = tpu.memref_slice %arg5[%dma_wait3A_593, %dma_wait3A_594] : memref<600x128xf32, #tpu.memory_space<vmem_shared>> -> memref<600x128xf32, #tpu.memory_space<vmem_shared>>
      tpu.wait_indirect_dma semaphore(%arg11 : memref<!tpu.dma_semaphore, #tpu.memory_space<semaphore_mem>>) src(%dma_wait3A_595 : memref<600x128xf32, #tpu.memory_space<vmem_shared>>) dst(%arg9 : memref<128x128xf32, #tpu.memory_space<vmem>>)
      %mul3A_596 = arith.constant 128 : i32
      %mul3A_597 = arith.muli %add3A_589, %mul3A_596 : i32
      %add3A_598 = arith.addi %mul3A_2, %mul3A_597 : i32
      %dma_start3A_599 = arith.constant 0 : i32
      %dma_start3A_600 = tpu.memref_slice %arg4[%add3A_598, %dma_start3A_599] : memref<204800x128xf32, #tpu.memory_space<hbm>> -> memref<128x128xf32, #tpu.memory_space<hbm>>
      %dma_start3A_601 = arith.constant 0 : i32
      %dma_start3A_602 = tpu.memref_slice %arg4[%add3A_598, %dma_start3A_601] : memref<204800x128xf32, #tpu.memory_space<hbm>> -> memref<128x128xf32, #tpu.memory_space<hbm>>
      tpu.enqueue_dma source(%arg9 : memref<128x128xf32, #tpu.memory_space<vmem>>) target(%dma_start3A_602 : memref<128x128xf32, #tpu.memory_space<hbm>>) target_semaphore(%arg13 : memref<!tpu.dma_semaphore, #tpu.memory_space<semaphore_mem>>)
      %add3A_603 = arith.constant 2 : i32
      %add3A_604 = arith.addi %add3A_589, %add3A_603 : i32
      %mul3A_605 = arith.constant 128 : i32
      %mul3A_606 = arith.muli %add3A_604, %mul3A_605 : i32
      %add3A_607 = arith.constant 0 : i32
      %add3A_608 = arith.addi %mul3A_606, %add3A_607 : i32
      %get3A_609 = arith.index_cast %add3A_608 : i32 to index
      %get3A_610 = tpu.vector_load %arg6[%get3A_609] {strides = array<i32>} : memref<6400xi32, #tpu.memory_space<vmem>>, vector<16xi32>,
      %get3A_611 = vector.shape_cast %get3A_610 : vector<16xi32> to vector<16xi32>
      %add3A_612 = arith.addi %mul3A_2, %add3A_608 : i32
      %add3A_613 = vector.broadcast %add3A_612 : i32 to vector<16xi32>
      %add3A_614 = arith.addi %add3A_613, %iota3A : vector<16xi32>
      %mul3A_615 = arith.constant 200 : i32
      %mul3A_616 = vector.broadcast %mul3A_615 : i32 to vector<16xi32>
      %mul3A_617 = arith.muli %get3A_611, %mul3A_616 : vector<16xi32>
      %rem3A_618 = arith.constant 200 : i32
      %rem3A_619 = vector.broadcast %rem3A_618 : i32 to vector<16xi32>
      %rem3A_620 = arith.remsi %add3A_614, %rem3A_619 : vector<16xi32>
      %add3A_621 = arith.addi %mul3A_617, %rem3A_620 : vector<16xi32>
      %swap3A_622 = arith.index_cast %add3A_604 : i32 to index
      %swap3A_623 = arith.constant 0 : index
      %swap3A_624 = tpu.vector_load %arg7[%swap3A_622, %swap3A_623] {strides = array<i32>} : memref<50x128xi32, #tpu.memory_space<vmem>>, vector<1x16xi32>,
      %swap3A_625 = vector.shape_cast %swap3A_624 : vector<1x16xi32> to vector<16xi32>
      %swap3A_626 = vector.shape_cast %add3A_621 : vector<16xi32> to vector<1x16xi32>
      tpu.vector_store %arg7[%swap3A_622, %swap3A_623], %swap3A_626 {strides = array<i32>} : memref<50x128xi32, #tpu.memory_space<vmem>>, vector<1x16xi32>,
      %mul3A_627 = arith.constant 128 : i32
      %mul3A_628 = arith.muli %add3A_604, %mul3A_627 : i32
      %add3A_629 = arith.constant 16 : i32
      %add3A_630 = arith.addi %mul3A_628, %add3A_629 : i32
      %get3A_631 = arith.index_cast %add3A_630 : i32 to index
      %get3A_632 = tpu.vector_load %arg6[%get3A_631] {strides = array<i32>} : memref<6400xi32, #tpu.memory_space<vmem>>, vector<16xi32>,
      %get3A_633 = vector.shape_cast %get3A_632 : vector<16xi32> to vector<16xi32>
      %add3A_634 = arith.addi %mul3A_2, %add3A_630 : i32
      %add3A_635 = vector.broadcast %add3A_634 : i32 to vector<16xi32>
      %add3A_636 = arith.addi %add3A_635, %iota3A : vector<16xi32>
      %mul3A_637 = arith.constant 200 : i32
      %mul3A_638 = vector.broadcast %mul3A_637 : i32 to vector<16xi32>
      %mul3A_639 = arith.muli %get3A_633, %mul3A_638 : vector<16xi32>
      %rem3A_640 = arith.constant 200 : i32
      %rem3A_641 = vector.broadcast %rem3A_640 : i32 to vector<16xi32>
      %rem3A_642 = arith.remsi %add3A_636, %rem3A_641 : vector<16xi32>
      %add3A_643 = arith.addi %mul3A_639, %rem3A_642 : vector<16xi32>
      %swap3A_644 = arith.index_cast %add3A_604 : i32 to index
      %swap3A_645 = arith.constant 16 : index
      %swap3A_646 = tpu.vector_load %arg7[%swap3A_644, %swap3A_645] {strides = array<i32>} : memref<50x128xi32, #tpu.memory_space<vmem>>, vector<1x16xi32>,
      %swap3A_647 = vector.shape_cast %swap3A_646 : vector<1x16xi32> to vector<16xi32>
      %swap3A_648 = vector.shape_cast %add3A_643 : vector<16xi32> to vector<1x16xi32>
      tpu.vector_store %arg7[%swap3A_644, %swap3A_645], %swap3A_648 {strides = array<i32>} : memref<50x128xi32, #tpu.memory_space<vmem>>, vector<1x16xi32>,
      %mul3A_649 = arith.constant 128 : i32
      %mul3A_650 = arith.muli %add3A_604, %mul3A_649 : i32
      %add3A_651 = arith.constant 32 : i32
      %add3A_652 = arith.addi %mul3A_650, %add3A_651 : i32
      %get3A_653 = arith.index_cast %add3A_652 : i32 to index
      %get3A_654 = tpu.vector_load %arg6[%get3A_653] {strides = array<i32>} : memref<6400xi32, #tpu.memory_space<vmem>>, vector<16xi32>,
      %get3A_655 = vector.shape_cast %get3A_654 : vector<16xi32> to vector<16xi32>
      %add3A_656 = arith.addi %mul3A_2, %add3A_652 : i32
      %add3A_657 = vector.broadcast %add3A_656 : i32 to vector<16xi32>
      %add3A_658 = arith.addi %add3A_657, %iota3A : vector<16xi32>
      %mul3A_659 = arith.constant 200 : i32
      %mul3A_660 = vector.broadcast %mul3A_659 : i32 to vector<16xi32>
      %mul3A_661 = arith.muli %get3A_655, %mul3A_660 : vector<16xi32>
      %rem3A_662 = arith.constant 200 : i32
      %rem3A_663 = vector.broadcast %rem3A_662 : i32 to vector<16xi32>
      %rem3A_664 = arith.remsi %add3A_658, %rem3A_663 : vector<16xi32>
      %add3A_665 = arith.addi %mul3A_661, %rem3A_664 : vector<16xi32>
      %swap3A_666 = arith.index_cast %add3A_604 : i32 to index
      %swap3A_667 = arith.constant 32 : index
      %swap3A_668 = tpu.vector_load %arg7[%swap3A_666, %swap3A_667] {strides = array<i32>} : memref<50x128xi32, #tpu.memory_space<vmem>>, vector<1x16xi32>,
      %swap3A_669 = vector.shape_cast %swap3A_668 : vector<1x16xi32> to vector<16xi32>
      %swap3A_670 = vector.shape_cast %add3A_665 : vector<16xi32> to vector<1x16xi32>
      tpu.vector_store %arg7[%swap3A_666, %swap3A_667], %swap3A_670 {strides = array<i32>} : memref<50x128xi32, #tpu.memory_space<vmem>>, vector<1x16xi32>,
      %mul3A_671 = arith.constant 128 : i32
      %mul3A_672 = arith.muli %add3A_604, %mul3A_671 : i32
      %add3A_673 = arith.constant 48 : i32
      %add3A_674 = arith.addi %mul3A_672, %add3A_673 : i32
      %get3A_675 = arith.index_cast %add3A_674 : i32 to index
      %get3A_676 = tpu.vector_load %arg6[%get3A_675] {strides = array<i32>} : memref<6400xi32, #tpu.memory_space<vmem>>, vector<16xi32>,
      %get3A_677 = vector.shape_cast %get3A_676 : vector<16xi32> to vector<16xi32>
      %add3A_678 = arith.addi %mul3A_2, %add3A_674 : i32
      %add3A_679 = vector.broadcast %add3A_678 : i32 to vector<16xi32>
      %add3A_680 = arith.addi %add3A_679, %iota3A : vector<16xi32>
      %mul3A_681 = arith.constant 200 : i32
      %mul3A_682 = vector.broadcast %mul3A_681 : i32 to vector<16xi32>
      %mul3A_683 = arith.muli %get3A_677, %mul3A_682 : vector<16xi32>
      %rem3A_684 = arith.constant 200 : i32
      %rem3A_685 = vector.broadcast %rem3A_684 : i32 to vector<16xi32>
      %rem3A_686 = arith.remsi %add3A_680, %rem3A_685 : vector<16xi32>
      %add3A_687 = arith.addi %mul3A_683, %rem3A_686 : vector<16xi32>
      %swap3A_688 = arith.index_cast %add3A_604 : i32 to index
      %swap3A_689 = arith.constant 48 : index
      %swap3A_690 = tpu.vector_load %arg7[%swap3A_688, %swap3A_689] {strides = array<i32>} : memref<50x128xi32, #tpu.memory_space<vmem>>, vector<1x16xi32>,
      %swap3A_691 = vector.shape_cast %swap3A_690 : vector<1x16xi32> to vector<16xi32>
      %swap3A_692 = vector.shape_cast %add3A_687 : vector<16xi32> to vector<1x16xi32>
      tpu.vector_store %arg7[%swap3A_688, %swap3A_689], %swap3A_692 {strides = array<i32>} : memref<50x128xi32, #tpu.memory_space<vmem>>, vector<1x16xi32>,
      %mul3A_693 = arith.constant 128 : i32
      %mul3A_694 = arith.muli %add3A_604, %mul3A_693 : i32
      %add3A_695 = arith.constant 64 : i32
      %add3A_696 = arith.addi %mul3A_694, %add3A_695 : i32
      %get3A_697 = arith.index_cast %add3A_696 : i32 to index
      %get3A_698 = tpu.vector_load %arg6[%get3A_697] {strides = array<i32>} : memref<6400xi32, #tpu.memory_space<vmem>>, vector<16xi32>,
      %get3A_699 = vector.shape_cast %get3A_698 : vector<16xi32> to vector<16xi32>
      %add3A_700 = arith.addi %mul3A_2, %add3A_696 : i32
      %add3A_701 = vector.broadcast %add3A_700 : i32 to vector<16xi32>
      %add3A_702 = arith.addi %add3A_701, %iota3A : vector<16xi32>
      %mul3A_703 = arith.constant 200 : i32
      %mul3A_704 = vector.broadcast %mul3A_703 : i32 to vector<16xi32>
      %mul3A_705 = arith.muli %get3A_699, %mul3A_704 : vector<16xi32>
      %rem3A_706 = arith.constant 200 : i32
      %rem3A_707 = vector.broadcast %rem3A_706 : i32 to vector<16xi32>
      %rem3A_708 = arith.remsi %add3A_702, %rem3A_707 : vector<16xi32>
      %add3A_709 = arith.addi %mul3A_705, %rem3A_708 : vector<16xi32>
      %swap3A_710 = arith.index_cast %add3A_604 : i32 to index
      %swap3A_711 = arith.constant 64 : index
      %swap3A_712 = tpu.vector_load %arg7[%swap3A_710, %swap3A_711] {strides = array<i32>} : memref<50x128xi32, #tpu.memory_space<vmem>>, vector<1x16xi32>,
      %swap3A_713 = vector.shape_cast %swap3A_712 : vector<1x16xi32> to vector<16xi32>
      %swap3A_714 = vector.shape_cast %add3A_709 : vector<16xi32> to vector<1x16xi32>
      tpu.vector_store %arg7[%swap3A_710, %swap3A_711], %swap3A_714 {strides = array<i32>} : memref<50x128xi32, #tpu.memory_space<vmem>>, vector<1x16xi32>,
      %mul3A_715 = arith.constant 128 : i32
      %mul3A_716 = arith.muli %add3A_604, %mul3A_715 : i32
      %add3A_717 = arith.constant 80 : i32
      %add3A_718 = arith.addi %mul3A_716, %add3A_717 : i32
      %get3A_719 = arith.index_cast %add3A_718 : i32 to index
      %get3A_720 = tpu.vector_load %arg6[%get3A_719] {strides = array<i32>} : memref<6400xi32, #tpu.memory_space<vmem>>, vector<16xi32>,
      %get3A_721 = vector.shape_cast %get3A_720 : vector<16xi32> to vector<16xi32>
      %add3A_722 = arith.addi %mul3A_2, %add3A_718 : i32
      %add3A_723 = vector.broadcast %add3A_722 : i32 to vector<16xi32>
      %add3A_724 = arith.addi %add3A_723, %iota3A : vector<16xi32>
      %mul3A_725 = arith.constant 200 : i32
      %mul3A_726 = vector.broadcast %mul3A_725 : i32 to vector<16xi32>
      %mul3A_727 = arith.muli %get3A_721, %mul3A_726 : vector<16xi32>
      %rem3A_728 = arith.constant 200 : i32
      %rem3A_729 = vector.broadcast %rem3A_728 : i32 to vector<16xi32>
      %rem3A_730 = arith.remsi %add3A_724, %rem3A_729 : vector<16xi32>
      %add3A_731 = arith.addi %mul3A_727, %rem3A_730 : vector<16xi32>
      %swap3A_732 = arith.index_cast %add3A_604 : i32 to index
      %swap3A_733 = arith.constant 80 : index
      %swap3A_734 = tpu.vector_load %arg7[%swap3A_732, %swap3A_733] {strides = array<i32>} : memref<50x128xi32, #tpu.memory_space<vmem>>, vector<1x16xi32>,
      %swap3A_735 = vector.shape_cast %swap3A_734 : vector<1x16xi32> to vector<16xi32>
      %swap3A_736 = vector.shape_cast %add3A_731 : vector<16xi32> to vector<1x16xi32>
      tpu.vector_store %arg7[%swap3A_732, %swap3A_733], %swap3A_736 {strides = array<i32>} : memref<50x128xi32, #tpu.memory_space<vmem>>, vector<1x16xi32>,
      %mul3A_737 = arith.constant 128 : i32
      %mul3A_738 = arith.muli %add3A_604, %mul3A_737 : i32
      %add3A_739 = arith.constant 96 : i32
      %add3A_740 = arith.addi %mul3A_738, %add3A_739 : i32
      %get3A_741 = arith.index_cast %add3A_740 : i32 to index
      %get3A_742 = tpu.vector_load %arg6[%get3A_741] {strides = array<i32>} : memref<6400xi32, #tpu.memory_space<vmem>>, vector<16xi32>,
      %get3A_743 = vector.shape_cast %get3A_742 : vector<16xi32> to vector<16xi32>
      %add3A_744 = arith.addi %mul3A_2, %add3A_740 : i32
      %add3A_745 = vector.broadcast %add3A_744 : i32 to vector<16xi32>
      %add3A_746 = arith.addi %add3A_745, %iota3A : vector<16xi32>
      %mul3A_747 = arith.constant 200 : i32
      %mul3A_748 = vector.broadcast %mul3A_747 : i32 to vector<16xi32>
      %mul3A_749 = arith.muli %get3A_743, %mul3A_748 : vector<16xi32>
      %rem3A_750 = arith.constant 200 : i32
      %rem3A_751 = vector.broadcast %rem3A_750 : i32 to vector<16xi32>
      %rem3A_752 = arith.remsi %add3A_746, %rem3A_751 : vector<16xi32>
      %add3A_753 = arith.addi %mul3A_749, %rem3A_752 : vector<16xi32>
      %swap3A_754 = arith.index_cast %add3A_604 : i32 to index
      %swap3A_755 = arith.constant 96 : index
      %swap3A_756 = tpu.vector_load %arg7[%swap3A_754, %swap3A_755] {strides = array<i32>} : memref<50x128xi32, #tpu.memory_space<vmem>>, vector<1x16xi32>,
      %swap3A_757 = vector.shape_cast %swap3A_756 : vector<1x16xi32> to vector<16xi32>
      %swap3A_758 = vector.shape_cast %add3A_753 : vector<16xi32> to vector<1x16xi32>
      tpu.vector_store %arg7[%swap3A_754, %swap3A_755], %swap3A_758 {strides = array<i32>} : memref<50x128xi32, #tpu.memory_space<vmem>>, vector<1x16xi32>,
      %mul3A_759 = arith.constant 128 : i32
      %mul3A_760 = arith.muli %add3A_604, %mul3A_759 : i32
      %add3A_761 = arith.constant 112 : i32
      %add3A_762 = arith.addi %mul3A_760, %add3A_761 : i32
      %get3A_763 = arith.index_cast %add3A_762 : i32 to index
      %get3A_764 = tpu.vector_load %arg6[%get3A_763] {strides = array<i32>} : memref<6400xi32, #tpu.memory_space<vmem>>, vector<16xi32>,
      %get3A_765 = vector.shape_cast %get3A_764 : vector<16xi32> to vector<16xi32>
      %add3A_766 = arith.addi %mul3A_2, %add3A_762 : i32
      %add3A_767 = vector.broadcast %add3A_766 : i32 to vector<16xi32>
      %add3A_768 = arith.addi %add3A_767, %iota3A : vector<16xi32>
      %mul3A_769 = arith.constant 200 : i32
      %mul3A_770 = vector.broadcast %mul3A_769 : i32 to vector<16xi32>
      %mul3A_771 = arith.muli %get3A_765, %mul3A_770 : vector<16xi32>
      %rem3A_772 = arith.constant 200 : i32
      %rem3A_773 = vector.broadcast %rem3A_772 : i32 to vector<16xi32>
      %rem3A_774 = arith.remsi %add3A_768, %rem3A_773 : vector<16xi32>
      %add3A_775 = arith.addi %mul3A_771, %rem3A_774 : vector<16xi32>
      %swap3A_776 = arith.index_cast %add3A_604 : i32 to index
      %swap3A_777 = arith.constant 112 : index
      %swap3A_778 = tpu.vector_load %arg7[%swap3A_776, %swap3A_777] {strides = array<i32>} : memref<50x128xi32, #tpu.memory_space<vmem>>, vector<1x16xi32>,
      %swap3A_779 = vector.shape_cast %swap3A_778 : vector<1x16xi32> to vector<16xi32>
      %swap3A_780 = vector.shape_cast %add3A_775 : vector<16xi32> to vector<1x16xi32>
      tpu.vector_store %arg7[%swap3A_776, %swap3A_777], %swap3A_780 {strides = array<i32>} : memref<50x128xi32, #tpu.memory_space<vmem>>, vector<1x16xi32>,
      %mul3A_781 = arith.constant 128 : i32
      %mul3A_782 = arith.muli %add3A_589, %mul3A_781 : i32
      %add3A_783 = arith.addi %mul3A_2, %mul3A_782 : i32
      %dma_wait3A_784 = arith.constant 0 : i32
      %dma_wait3A_785 = tpu.memref_slice %arg4[%add3A_783, %dma_wait3A_784] : memref<204800x128xf32, #tpu.memory_space<hbm>> -> memref<128x128xf32, #tpu.memory_space<hbm>>
      %dma_wait3A_786 = arith.constant 0 : i32
      %dma_wait3A_787 = tpu.memref_slice %arg4[%add3A_783, %dma_wait3A_786] : memref<204800x128xf32, #tpu.memory_space<hbm>> -> memref<128x128xf32, #tpu.memory_space<hbm>>
      tpu.wait_dma2 semaphore(%arg13 : memref<!tpu.dma_semaphore, #tpu.memory_space<semaphore_mem>>) src(%arg9 : memref<128x128xf32, #tpu.memory_space<vmem>>) dst(%dma_wait3A_787 : memref<128x128xf32, #tpu.memory_space<hbm>>)
      %add3A_788 = arith.constant 2 : i32
      %add3A_789 = arith.addi %add3A_589, %add3A_788 : i32
      %dma_start3A_790 = arith.constant 0 : i32
      %dma_start3A_791 = tpu.memref_slice %arg7[%add3A_789, %dma_start3A_790] : memref<50x128xi32, #tpu.memory_space<vmem>> -> memref<1x128xi32, #tpu.memory_space<vmem>>
      %dma_start3A_792 = tpu.memref_squeeze %dma_start3A_791 : memref<1x128xi32, #tpu.memory_space<vmem>> -> memref<128xi32, #tpu.memory_space<vmem>>
      %dma_start3A_793 = arith.constant 0 : i32
      %dma_start3A_794 = arith.constant 0 : i32
      %dma_start3A_795 = tpu.memref_slice %arg5[%dma_start3A_793, %dma_start3A_794] : memref<600x128xf32, #tpu.memory_space<vmem_shared>> -> memref<600x128xf32, #tpu.memory_space<vmem_shared>>
      tpu.enqueue_indirect_dma source(%dma_start3A_795 : memref<600x128xf32, #tpu.memory_space<vmem_shared>>) target(%arg9 : memref<128x128xf32, #tpu.memory_space<vmem>>) offsets(%dma_start3A_792 : memref<128xi32, #tpu.memory_space<vmem>>) semaphore(%arg11 : memref<!tpu.dma_semaphore, #tpu.memory_space<semaphore_mem>>)
    }
    %scan3A_339 = arith.constant 24 : i32
    %dma_wait3A = arith.constant 48 : i32
    %dma_wait3A_340 = arith.constant 0 : i32
    %dma_wait3A_341 = tpu.memref_slice %arg7[%dma_wait3A, %dma_wait3A_340] : memref<50x128xi32, #tpu.memory_space<vmem>> -> memref<1x128xi32, #tpu.memory_space<vmem>>
    %dma_wait3A_342 = tpu.memref_squeeze %dma_wait3A_341 : memref<1x128xi32, #tpu.memory_space<vmem>> -> memref<128xi32, #tpu.memory_space<vmem>>
    %dma_wait3A_343 = arith.constant 0 : i32
    %dma_wait3A_344 = arith.constant 0 : i32
    %dma_wait3A_345 = tpu.memref_slice %arg5[%dma_wait3A_343, %dma_wait3A_344] : memref<600x128xf32, #tpu.memory_space<vmem_shared>> -> memref<600x128xf32, #tpu.memory_space<vmem_shared>>
    tpu.wait_indirect_dma semaphore(%arg10 : memref<!tpu.dma_semaphore, #tpu.memory_space<semaphore_mem>>) src(%dma_wait3A_345 : memref<600x128xf32, #tpu.memory_space<vmem_shared>>) dst(%arg8 : memref<128x128xf32, #tpu.memory_space<vmem>>)
    %add3A_346 = arith.constant 6144 : i32
    %add3A_347 = arith.addi %mul3A_2, %add3A_346 : i32
    %dma_start3A_348 = arith.constant 0 : i32
    %dma_start3A_349 = tpu.memref_slice %arg4[%add3A_347, %dma_start3A_348] : memref<204800x128xf32, #tpu.memory_space<hbm>> -> memref<128x128xf32, #tpu.memory_space<hbm>>
    %dma_start3A_350 = arith.constant 0 : i32
    %dma_start3A_351 = tpu.memref_slice %arg4[%add3A_347, %dma_start3A_350] : memref<204800x128xf32, #tpu.memory_space<hbm>> -> memref<128x128xf32, #tpu.memory_space<hbm>>
    tpu.enqueue_dma source(%arg8 : memref<128x128xf32, #tpu.memory_space<vmem>>) target(%dma_start3A_351 : memref<128x128xf32, #tpu.memory_space<hbm>>) target_semaphore(%arg12 : memref<!tpu.dma_semaphore, #tpu.memory_space<semaphore_mem>>)
    %add3A_352 = arith.constant 6144 : i32
    %add3A_353 = arith.addi %mul3A_2, %add3A_352 : i32
    %dma_wait3A_354 = arith.constant 0 : i32
    %dma_wait3A_355 = tpu.memref_slice %arg4[%add3A_353, %dma_wait3A_354] : memref<204800x128xf32, #tpu.memory_space<hbm>> -> memref<128x128xf32, #tpu.memory_space<hbm>>
    %dma_wait3A_356 = arith.constant 0 : i32
    %dma_wait3A_357 = tpu.memref_slice %arg4[%add3A_353, %dma_wait3A_356] : memref<204800x128xf32, #tpu.memory_space<hbm>> -> memref<128x128xf32, #tpu.memory_space<hbm>>
    tpu.wait_dma2 semaphore(%arg12 : memref<!tpu.dma_semaphore, #tpu.memory_space<semaphore_mem>>) src(%arg8 : memref<128x128xf32, #tpu.memory_space<vmem>>) dst(%dma_wait3A_357 : memref<128x128xf32, #tpu.memory_space<hbm>>)
    %dma_wait3A_358 = arith.constant 49 : i32
    %dma_wait3A_359 = arith.constant 0 : i32
    %dma_wait3A_360 = tpu.memref_slice %arg7[%dma_wait3A_358, %dma_wait3A_359] : memref<50x128xi32, #tpu.memory_space<vmem>> -> memref<1x128xi32, #tpu.memory_space<vmem>>
    %dma_wait3A_361 = tpu.memref_squeeze %dma_wait3A_360 : memref<1x128xi32, #tpu.memory_space<vmem>> -> memref<128xi32, #tpu.memory_space<vmem>>
    %dma_wait3A_362 = arith.constant 0 : i32
    %dma_wait3A_363 = arith.constant 0 : i32
    %dma_wait3A_364 = tpu.memref_slice %arg5[%dma_wait3A_362, %dma_wait3A_363] : memref<600x128xf32, #tpu.memory_space<vmem_shared>> -> memref<600x128xf32, #tpu.memory_space<vmem_shared>>
    tpu.wait_indirect_dma semaphore(%arg11 : memref<!tpu.dma_semaphore, #tpu.memory_space<semaphore_mem>>) src(%dma_wait3A_364 : memref<600x128xf32, #tpu.memory_space<vmem_shared>>) dst(%arg9 : memref<128x128xf32, #tpu.memory_space<vmem>>)
    %add3A_365 = arith.constant 6272 : i32
    %add3A_366 = arith.addi %mul3A_2, %add3A_365 : i32
    %dma_start3A_367 = arith.constant 0 : i32
    %dma_start3A_368 = tpu.memref_slice %arg4[%add3A_366, %dma_start3A_367] : memref<204800x128xf32, #tpu.memory_space<hbm>> -> memref<128x128xf32, #tpu.memory_space<hbm>>
    %dma_start3A_369 = arith.constant 0 : i32
    %dma_start3A_370 = tpu.memref_slice %arg4[%add3A_366, %dma_start3A_369] : memref<204800x128xf32, #tpu.memory_space<hbm>> -> memref<128x128xf32, #tpu.memory_space<hbm>>
    tpu.enqueue_dma source(%arg9 : memref<128x128xf32, #tpu.memory_space<vmem>>) target(%dma_start3A_370 : memref<128x128xf32, #tpu.memory_space<hbm>>) target_semaphore(%arg13 : memref<!tpu.dma_semaphore, #tpu.memory_space<semaphore_mem>>)
    %add3A_371 = arith.constant 6272 : i32
    %add3A_372 = arith.addi %mul3A_2, %add3A_371 : i32
    %dma_wait3A_373 = arith.constant 0 : i32
    %dma_wait3A_374 = tpu.memref_slice %arg4[%add3A_372, %dma_wait3A_373] : memref<204800x128xf32, #tpu.memory_space<hbm>> -> memref<128x128xf32, #tpu.memory_space<hbm>>
    %dma_wait3A_375 = arith.constant 0 : i32
    %dma_wait3A_376 = tpu.memref_slice %arg4[%add3A_372, %dma_wait3A_375] : memref<204800x128xf32, #tpu.memory_space<hbm>> -> memref<128x128xf32, #tpu.memory_space<hbm>>
    tpu.wait_dma2 semaphore(%arg13 : memref<!tpu.dma_semaphore, #tpu.memory_space<semaphore_mem>>) src(%arg9 : memref<128x128xf32, #tpu.memory_space<vmem>>) dst(%dma_wait3A_376 : memref<128x128xf32, #tpu.memory_space<hbm>>)
    return
  }
}

</mosaic_0001>

<sc_bundles>
// kernel: _sc_lookup.3.cloned.1.call-start
scs
__scs_entry_jumppad:
0x0: {  	(pc) =	sbr.rel $0x88, $3  }
0x1: {  	(tag) =	ssettag $0x0;
	lr =	simm.s32 $0x1  }
0x2: {  	[smem:$0x3F9F] =	sst lr;
	_ =	strace $0xD0000000  }
0x3: {  	_ = 	snop  }
0x4: {  	_ = 	snop  }
0x5: {  	_ = 	snop  }
0x6: {  	_ = 	snop  }
0x7: {  	_ = 	snop  }
__scs_overlays_trampoline_lowered:
0x8: {  	[smem:$0x3FAE] =	sst s0  }
0x9: {  	[smem:$0x3FAF] =	sst s1  }
0xa: {  	[smem:$0x3FB0] =	sst s2  }
0xb: {  	[smem:$0x3FB1] =	sst s3  }
0xc: {  	[smem:$0x3FB2] =	sst s4  }
0xd: {  	[smem:$0x3FB3] =	sst s5  }
0xe: {  	[smem:$0x3FB4] =	sst s6  }
0xf: {  	[smem:$0x3FB5] =	sst s7  }
0x10: {  	[smem:$0x3FB6] =	sst s8  }
0x11: {  	[smem:$0x3FB7] =	sst s9;
	s0 =	simm.s32 @!p0 $0x0  }
0x12: {  	s1 =	sld [smem:$0x3F9D];
	s0 =	simm.s32 @p0 $0x1  }
0x13: {  	[smem:$0x3FB8] =	sst s0;
	s0 =	simm.s32 @!p1 $0x0  }
0x14: {  	s2 =	sld [smem:$0x3F9C];
	s0 =	simm.s32 @p1 $0x1  }
0x15: {  	[smem:$0x3FB9] =	sst s0;
	s0 =	simm.s32 @!p2 $0x0  }
0x16: {  	s3 =	sld [smem:$0x3FDB];
	s0 =	simm.s32 @p2 $0x1  }
0x17: {  	s4 =	simm.s32 $0x1BF5;
	[smem:$0x3FBB] =	sst s0  }
0x18: {  	s0 =	sld [smem:$0x3F9E];
	_ =	swait.ge [sflag:s4], $0x0  }
0x19: {  	s7 =	sld [smem:$0x3F9F]  }
0x1a: {  	s8 =	sadd.s32 $0xFFFFE003, lr  }
0x1b: {  	s9 =	sadd.s32 $0xFFFFFEF7, lr;
	s5 =	simm.s32 $0xFFFFFFFF;
	p2 =	slt.u32 s8, $0xFFFFF086  }
0x1c: {  	p1 =	slt.u32 s9, $0xF7A;
	s5 =	simm.s32 @!p2 $0x0  }
0x1d: {  	s5 =	simm.s32 @p1 $0x1;
	p0 =	seq.s32 s7, s2  }
0x1e: {  	s7 =	smul.u32 @!p0 $0xF7A, s2;
	p2 =	seq.s32 @!p0 s5, $0x0  }
0x1f: {  	s9 =	smul.u32 $0xF7A, s1;
	s8 =	simm.s32 @!p0 $0x1BF5;
	p2 =	por !p2, p0  }
0x20: {  	[sflag:s8] =	ssyncset.s32 @!p0 $0xFFFFF086;
	s6 =	sadd.s32 @!p0 s3, s7;
	s7 =	simm.s32 @!p0 $0x108  }
0x21: {  	s3 =	sadd.s32 s3, s9;
	s6 =	sadd.s32 @!p0 $0x88, s6;
	s7 =	simm.s32 @p2 $0x1082  }
0x22: {  	[simem:s7], [sflag:s8] =	dma.local @!p0 [hbm:s6], $0xF7A  }
0x23: {  	s9 =	sor.u32 $0xD0000000, s2;
	s6 =	simm.s32 $0x108;
	_ =	swait.ge @!p0 [sflag:s8], $0x0  }
0x24: {  	s3 =	sadd.s32 $0x88, s3;
	s6 =	simm.s32 @!p1 $0x1082;
	[sflag:s4] =	ssyncset.s32 $0xFFFFF086  }
0x25: {  	[simem:s6], [sflag:s4] =	dma.local [hbm:s3], $0xF7A  }
0x26: {  	[smem:$0x3F9F] =	sst s1;
	(tag) =	ssettag s2;
	_ =	strace s9  }
0x27: {  	s1 =	sld [smem:$0x3FAF]  }
0x28: {  	s2 =	sld [smem:$0x3FB0]  }
0x29: {  	s4 =	sld [smem:$0x3FB2]  }
0x2a: {  	p0 =	seq.s32 s5, $0x0;
	s5 =	sld [smem:$0x3FB3]  }
0x2b: {  	s6 =	sld [smem:$0x3FB4]  }
0x2c: {  	s7 =	sld [smem:$0x3FB5]  }
0x2d: {  	s3 =	simm.s32 $0x108;
	s8 =	sld [smem:$0x3FB6]  }
0x2e: {  	s3 =	simm.s32 @!p0 $0x1082;
	s9 =	sld [smem:$0x3FB7]  }
0x2f: {  	lr =	sadd.s32 s0, s3;
	s0 =	sld [smem:$0x3FAE]  }
0x30: {  	s3 =	sld [smem:$0x3FB1]  }
0x31: {  	[smem:$0x3FBA] =	sst s10  }
0x32: {  	s10 =	sld [smem:$0x3FB8];
	_ =	sdelay $0x3  }
0x33: {  	p0 =	seq.s32 s10, $0x1;
	s10 =	sld [smem:$0x3FBA];
	_ =	sdelay $0x3  }
0x34: {  	[smem:$0x3FBA] =	sst s10  }
0x35: {  	s10 =	sld [smem:$0x3FB9];
	_ =	sdelay $0x3  }
0x36: {  	p1 =	seq.s32 s10, $0x1;
	s10 =	sld [smem:$0x3FBA];
	_ =	sdelay $0x3  }
0x37: {  	[smem:$0x3FBA] =	sst s10  }
0x38: {  	s10 =	sld [smem:$0x3FBB]  }
0x39: {  	_ = 	snop;
	(pc) =	sbr.ind lr, $3  }
0x3a: {  	_ = 	snop  }
0x3b: {  	_ = 	snop  }
0x3c: {  	p2 =	seq.s32 s10, $0x1;
	s10 =	sld [smem:$0x3FBA]  }
0x3d: {  	_ =	shalt  }
0x3e: {  	_ =	shalt  }
0x3f: {  	_ =	shalt  }
0x40: {  	_ =	shalt  }
0x41: {  	_ =	shalt  }
0x42: {  	_ =	shalt  }
0x43: {  	_ =	shalt  }
0x44: {  	_ =	shalt  }
0x45: {  	_ =	shalt  }
0x46: {  	_ =	shalt  }
0x47: {  	_ =	shalt  }
0x48: {  	_ =	shalt  }
0x49: {  	_ =	shalt  }
0x4a: {  	_ =	shalt  }
0x4b: {  	_ =	shalt  }
0x4c: {  	_ =	shalt  }
0x4d: {  	_ =	shalt  }
0x4e: {  	_ =	shalt  }
0x4f: {  	_ =	shalt  }
0x50: {  	_ =	shalt  }
0x51: {  	_ =	shalt  }
0x52: {  	_ =	shalt  }
0x53: {  	_ =	shalt  }
0x54: {  	_ =	shalt  }
0x55: {  	_ =	shalt  }
0x56: {  	_ =	shalt  }
0x57: {  	_ =	shalt  }
0x58: {  	_ =	shalt  }
0x59: {  	_ =	shalt  }
0x5a: {  	_ =	shalt  }
0x5b: {  	_ =	shalt  }
0x5c: {  	_ =	shalt  }
0x5d: {  	_ =	shalt  }
0x5e: {  	_ =	shalt  }
0x5f: {  	_ =	shalt  }
0x60: {  	_ =	shalt  }
0x61: {  	_ =	shalt  }
0x62: {  	_ =	shalt  }
0x63: {  	_ =	shalt  }
0x64: {  	_ =	shalt  }
0x65: {  	_ =	shalt  }
0x66: {  	_ =	shalt  }
0x67: {  	_ =	shalt  }
0x68: {  	_ =	shalt  }
0x69: {  	_ =	shalt  }
0x6a: {  	_ =	shalt  }
0x6b: {  	_ =	shalt  }
0x6c: {  	_ =	shalt  }
0x6d: {  	_ =	shalt  }
0x6e: {  	_ =	shalt  }
0x6f: {  	_ =	shalt  }
0x70: {  	_ =	shalt  }
0x71: {  	_ =	shalt  }
0x72: {  	_ =	shalt  }
0x73: {  	_ =	shalt  }
0x74: {  	_ =	shalt  }
0x75: {  	_ =	shalt  }
0x76: {  	_ =	shalt  }
0x77: {  	_ =	shalt  }
0x78: {  	_ =	shalt  }
0x79: {  	_ =	shalt  }
0x7a: {  	_ =	shalt  }
0x7b: {  	_ =	shalt  }
0x7c: {  	_ =	shalt  }
0x7d: {  	_ =	shalt  }
0x7e: {  	_ =	shalt  }
0x7f: {  	_ =	shalt  }
0x80: {  	_ =	shalt  }
0x81: {  	_ =	shalt  }
0x82: {  	_ =	shalt  }
0x83: {  	_ =	shalt  }
0x84: {  	_ =	shalt  }
0x85: {  	_ =	shalt  }
0x86: {  	_ =	shalt  }
0x87: {  	_ =	shalt  }
.Lfunc_end0:
.L_simem_size_0:
called_computation_lowered:
.L_overlay_start_0:
0x88: {  	s2 =	sld [smem:$0x3FD9]  }
0x89: {  	s3 =	sld [smem:$0x3FFE];
	_ =	sdelay $0x1  }
0x8a: {  	s1 =	srdreg.scid  }
0x8b: {  	s0 =	sand.u32 $0x1, s1  }
0x8c: {  	s18 =	sshll.u32 s0, $0xA;
	s2 =	sadd.s32 s3, s2  }
0x8d: {  	s2 =	sadd.s32 s2, s18  }
0x8e: {  	[smem:$0x3FC6] =	sst s2  }
0x8f: {  	_ = 	snop  }
0x90: {  	s2 =	sld [smem:$0x3FC9]  }
0x91: {  	s19 =	sld [smem:$0x3FC8]  }
0x92: {  	s4 =	sld [smem:$0x3FD0];
	(tm) =	ssettm $0x1  }
0x93: {  	s5 =	sld [smem:$0x3FFB];
	_ =	sdelay $0x3  }
0x94: {  	_ =	strace s5  }
0x95: {  	s5 =	sld [smem:$0x3FFC];
	_ =	sdelay $0x3  }
0x96: {  	_ =	strace s5  }
0x97: {  	s5 =	sld [smem:$0x3FFD];
	_ =	sdelay $0x3  }
0x98: {  	_ =	strace s5  }
0x99: {  	_ =	strace $0x8FFFFFFF  }
0x9a: {  	s20 =	sld [smem:$0x3FDB];
	_ =	sdelay $0x1  }
0x9b: {  	s6 =	simm.s32 $_scs_section_size  }
0x9c: {  	s7 =	simm.s32 $_size__tile_overlayer_lowered;
	s8 =	simm.s32 $_tile_overlayer_lowered  }
0x9d: {  	s23 =	simm.s32 $0x1BFF;
	s22 =	sshll.u32 s8, $0x1;
	s5 =	sadd.s32 s6, s20  }
0x9e: {  	s9 =	simm.s32 $0x0;
	s21 =	sshll.u32 s7, $0x1;
	s7 =	sadd.s32 s22, s5  }
0x9f: {  	[timem:s9], [sflag:s23] =	dma.local [hbm:s7], s21  }
0xa0: {  	_ =	swait.ge [sflag:s23], s21  }
0xa1: {  	s6 =	ssub.s32 $0x0, s21;
	[sflag:s23] =	ssyncset.done $0x0  }
0xa2: {  	[sflag:s23] =	ssyncadd.s32 s6;
	_ =	sdelay $0x1  }
0xa3: {  	s24 =	simm.s32 $0x1B8B  }
0xa4: {  	_ =	swait.ge [sflag:s24], $0x1  }
0xa5: {  	[sflag:s24] =	ssyncset.done $0x0  }
0xa6: {  	s25 =	simm.s32 $0x1B8E;
	[sflag:s24] =	ssyncadd.s32 $0xFFFFFFFF  }
0xa7: {  	s26 =	simm.s32 $execute0_lowered;
	[smem:$0x3FD2] =	sst s25  }
0xa8: {  	s6 =	sshll.u32 s26, $0x1;
	_ =	strace $0x80000046;
	[dreg:$0x1] =	wrdreg $0xFFFFFFFF  }
0xa9: {  	s28 =	simm.s32 $_size_execute0_lowered;
	s5 =	sadd.s32 s5, s6;
	[dreg:$0x0] =	wrdreg $0x0  }
0xaa: {  	s6 =	sshll.u32 s28, $0x1;
	[dreg:$0x2] =	wrdreg s5  }
0xab: {  	[dreg:$0x3] =	wrdreg s6  }
0xac: {  	[dreg:$0x4] =	wrdreg $0xC0  }
0xad: {  	_ =	task [dreg:s9], $0x5FFFF  }
0xae: {  	[dreg:$0x1] =	wrdreg $0xFFFFFFFF  }
0xaf: {  	[dreg:$0x0] =	wrdreg $0x60  }
0xb0: {  	[dreg:$0x2] =	wrdreg s2  }
0xb1: {  	[dreg:$0x3] =	wrdreg s19  }
0xb2: {  	[dreg:$0x4] =	wrdreg s4  }
0xb3: {  	[dreg:$0x5] =	wrdreg $0x0  }
0xb4: {  	[dreg:$0x6] =	wrdreg $0x9  }
0xb5: {  	_ =	task.clear_ibuf [dreg:s9], $0x7FFFF;
	_ =	strace $0x90000046  }
0xb6: {  	s29 =	simm.s32 $0x9;
	_ =	strace $0x80000048  }
0xb7: {  	_ =	swait.ge [sflag:s29], $0x1  }
0xb8: {  	[sflag:s29] =	ssyncadd.s32 $0xFFFFFFFF  }
0xb9: {  	_ =	strace $0x90000048  }
0xba: {  	_ =	sfence  }
0xbb: {  	s30 =	sld [smem:$0x0];
	_ =	sdelay $0x2  }
0xbc: {  	s31 =	sshll.u32 s1, $0xD;
	s1 =	sshrl.u32 s1, $0x2  }
0xbd: {  	s3 =	sand.u32 $0x4000, s31;
	s1 =	sadd.s32 s1, s30  }
0xbe: {  	s0 =	sor.u32 s3, s0;
	s1 =	sshll.u32 s1, $0x11  }
0xbf: {  	s0 =	sor.u32 s1, s0  }
0xc0: {  	s0 =	sadd.s32 $0x8F2B, s0  }
0xc1: {  	[sflag:s0] =	ssyncadd.remote.s32 $0x1  }
0xc2: {  	_ =	sfence.sel $0xFFFF  }
0xc3: {  	[dreg:$0x0] =	wrdreg $0xFFFFFFFF;
	(pc) =	sbr.abs _section_cstart, $3  }
0xc4: {  	[dreg:$0x1] =	wrdreg $0xFFFFFFFF  }
0xc5: {  	_ =	task.clear_ibuf [dreg:s9], $0x2FFFF;
	_ =	strace $0x9FFFFFFF  }
0xc6: {  	(tm) =	ssettm $0x7FFFFFFF  }
0xc7: {  	_ =	shalt  }
tec
execute0_lowered:
.L_overlay_start_1:
0x0: {  	(tag) =	ssettag $0x1  }
0x1: {  	s0 =	srdreg.scid;
	s9 =	stileid.u32  }
0x2: {  	s7 =	sand.u32 $0x1, s0;
	s12 =	sshll.u32 s9, $0x1  }
0x3: {  	s0 =	sor.u32 s7, s12  }
0x4: {  	s5 =	smul.u32 $0x1900, s0  }
0x5: {  	v0 =	vlaneseq.u32  }
0x6: {  	v1 =	vor.u32 s5, v0  }
0x7: {  	s1 =	sor.u32 $0x10, s5;
	s13 =	sor.u32 $0x20, s5;
	s14 =	sor.u32 $0x30, s5;
	v2 =	vmulhi.u32 $0x51EB851F, v1  }
0x8: {  	s15 =	sor.u32 $0x40, s5;
	s4 =	sor.u32 $0x70, s5;
	v3 =	vor.u32 s1, v0;
	v5 =	vor.u32 s13, v0;
	v7 =	vor.u32 s14, v0  }
0x9: {  	s17 =	sor.u32 $0x80, s5;
	s11 =	sor.u32 $0x90, s5;
	v9 =	vor.u32 s15, v0;
	v11 =	vor.u32 s4, v0;
	v4 =	vmulhi.u32 $0x51EB851F, v3  }
0xa: {  	s20 =	sor.u32 $0xB0, s5;
	s22 =	sor.u32 $0xC0, s5;
	v12 =	vor.u32 s17, v0;
	v14 =	vor.u32 s11, v0;
	v6 =	vmulhi.u32 $0x51EB851F, v5  }
0xb: {  	v15 =	vor.u32 s20, v0;
	v17 =	vor.u32 s22, v0;
	v2 =	vshrl.u32 v2, $0x6  }
0xc: {  	v2 =	vmul.u32 $0xC8, v2;
	v4 =	vshrl.u32 v4, $0x6;
	v6 =	vshrl.u32 v6, $0x6  }
0xd: {  	s24 =	sor.u32 $0xE0, s5;
	v8 =	vmulhi.u32 $0x51EB851F, v7;
	v4 =	vmul.u32 $0xC8, v4;
	v6 =	vmul.u32 $0xC8, v6  }
0xe: {  	v19 =	vor.u32 s24, v0;
	v10 =	vmulhi.u32 $0x51EB851F, v9;
	v1 =	vsub.s32 v1, v2  }
0xf: {  	s2 =	sor.u32 $0x50, s5;
	v2 =	vsub.s32 v3, v4;
	v3 =	vsub.s32 v5, v6;
	v4 =	vshrl.u32 v8, $0x6  }
0x10: {  	s3 =	sor.u32 $0x60, s5;
	v5 =	vshrl.u32 v10, $0x6;
	v6 =	vor.u32 s2, v0;
	v4 =	vmul.u32 $0xC8, v4  }
0x11: {  	s25 =	sor.u32 $0xF0, s5;
	v10 =	vor.u32 s3, v0;
	v5 =	vmul.u32 $0xC8, v5;
	v8 =	vmulhi.u32 $0x51EB851F, v6  }
0x12: {  	s21 =	smul.u32 $0x190000, s9;
	v21 =	vor.u32 s25, v0;
	v4 =	vsub.s32 v7, v4;
	v7 =	vmulhi.u32 $0x51EB851F, v10  }
0x13: {  	s16 =	rddreg [dreg:$0x1];
	s26 =	smul.u32 $0x3200, s9;
	v5 =	vsub.s32 v9, v5;
	v8 =	vshrl.u32 v8, $0x6;
	v9 =	vmulhi.u32 $0x51EB851F, v11  }
0x14: {  	s10 =	rddreg [dreg:$0x2];
	s6 =	ssub.s32 $0x2, s7;
	s29 =	smul.u32 $0x1900, s7;
	v13 =	vmulhi.u32 $0x51EB851F, v12;
	v8 =	vmul.u32 $0xC8, v8;
	v7 =	vshrl.u32 v7, $0x6  }
0x15: {  	p0 =	sne.s32 s9, $0x0;
	s18 =	sshrl.u32 s6, $0x1;
	s0 =	smul.u32 $0xC8000, s0;
	v16 =	vmulhi.u32 $0x51EB851F, v15;
	v9 =	vshrl.u32 v9, $0x6;
	v7 =	vmul.u32 $0xC8, v7  }
0x16: {  	s12 =	ssub.s32 s6, s18;
	s31 =	sadd.s32 s29, s26;
	s18 =	simm.s32 $0x1;
	v20 =	vmulhi.u32 $0x51EB851F, v19;
	v6 =	vsub.s32 v6, v8;
	v8 =	vmul.u32 $0xC8, v9  }
0x17: {  	s8 =	sshrl.u32 s5, $0x3;
	s23 =	sor.u32 $0xD0, s5;
	s13 =	smul.u32 $0xC8000, s7;
	v9 =	vshrl.u32 v13, $0x6;
	v7 =	vsub.s32 v10, v7;
	v10 =	vmulhi.u32 $0x51EB851F, v14  }
0x18: {  	s19 =	sor.u32 $0xA0, s5;
	s0 =	sshrl.u32 s0, $0x3;
	s14 =	smul.u32 $0x32000, s9;
	v18 =	vor.u32 s23, v0;
	v22 =	vmulhi.u32 $0x51EB851F, v21;
	v9 =	vmul.u32 $0xC8, v9  }
0x19: {  	s1 =	sadd.s32 s16, s8;
	s0 =	sadd.s32 s10, s0;
	s15 =	smul.u32 $0x19000, s7;
	v8 =	vsub.s32 v11, v8;
	v11 =	vor.u32 s19, v0;
	v10 =	vshrl.u32 v10, $0x6  }
0x1a: {  	s7 =	smax.u32 s12, $0x1;
	s12 =	simm.s32 $0x5;
	s17 =	simm.s32 $0x87C0;
	v16 =	vshrl.u32 v16, $0x6;
	v13 =	vmulhi.u32 $0x51EB851F, v11;
	v10 =	vmul.u32 $0xC8, v10  }
0x1b: {  	s20 =	simm.s32 $0x2;
	s22 =	simm.s32 $0x0;
	s5 =	sadd.s32 $0x18000, s0;
	v62 =	vshrl.u32 v22, $0x6;
	v9 =	vsub.s32 v12, v9;
	v12 =	vmulhi.u32 $0x51EB851F, v17  }
0x1c: {  	s6 =	sadd.s32 $0x18800, s0;
	s8 =	sadd.s32 s13, s21;
	s30 =	sadd.s32 s14, s10;
	v13 =	vshrl.u32 v13, $0x6;
	v10 =	vsub.s32 v14, v10;
	v14 =	vmulhi.u32 $0x51EB851F, v18  }
0x1d: {  	s13 =	simm.s32 $0x80;
	s21 =	simm.s32 $0x4;
	s28 =	sshrl.u32 s8, $0x3;
	v16 =	vmul.u32 $0xC8, v16;
	v12 =	vshrl.u32 v12, $0x6;
	v13 =	vmul.u32 $0xC8, v13  }
0x1e: {  	s0 =	sadd.s32 s15, s30;
	s2 =	rddreg [dreg:$0x3];
	s3 =	simm.s32 $0x0;
	v23 =	vmul.u32 $0xC8, v12;
	v12 =	vshrl.u32 v14, $0x6;
	v14 =	vshrl.u32 v20, $0x6  }
0x1f: {  	s15 =	simm.s32 $0x47C0;
	s8 =	sadd.s32 s28, s10;
	[smem:$0x7FF] =	sst s3;
	v20 =	vmul.u32 $0xC8, v62;
	v63 =	vmul.u32 $0xC8, v12;
	v24 =	vmul.u32 $0xC8, v14  }
0x20: {  	s9 =	sadd.s32 $0x800, s0;
	_ =	strace $0x80000047;
	[dreg:$0x6] =	wrdreg s1;
	v11 =	vsub.s32 v11, v13;
	v13 =	vsub.s32 v17, v23;
	v12 =	vsub.s32 v15, v16  }
0x21: {  	s10 =	sshrl.u32 @!p0 s2, $0x3;
	[dreg:$0x5] =	wrdreg s31;
	s19 =	simm.s32 $0x3;
	v16 =	vsub.s32 v21, v20;
	v14 =	vsub.s32 v18, v63;
	v15 =	vsub.s32 v19, v24  }
.LBB2_1:
0x22: {  	s0 =	simm.s32 @!p0 $0x1C05;
	s1 =	rddreg [dreg:$0x0]  }
0x23: {  	[spmem:s10], [sflag:s0] =	dma.local @!p0 [hbm:s1], $0x2580  }
0x24: {  	s0 =	simm.s32 @!p0 $0x5  }
0x25: {  	_ =	swait.ge @!p0 [sflag:s0], $0x2580  }
0x26: {  	[sflag:s0] =	ssyncset.done @!p0 $0x0  }
0x27: {  	s26 =	simm.s32 $0x12C0;
	s25 =	rddreg [dreg:$0x6];
	[sflag:s0] =	ssyncadd.s32 @!p0 $0xFFFFDA80  }
0x28: {  	[tilespmem:s26], [sflag:$0x5] =	stream.linear.gather [hbm4b:s25+s3], $0x1900, $0x38;
	[tilespmem:$0xC7C0] =	vst v63  }
0x29: {  	_ =	swait.ge [sflag:s12], $0x1900  }
0x2a: {  	[sflag:s12] =	ssyncset.done $0x0  }
0x2b: {  	[sflag:s12] =	ssyncadd.s32 $0xFFFFE700  }
0x2c: {  	[bflag:$0x0] =	sbarrier.arrive $0xFFFF  }
0x2d: {  	v17 =	vld [tilespmem:$0x12C0]  }
0x2e: {  	v18 =	vld [tilespmem:$0x12D0]  }
0x2f: {  	v19 =	vld [tilespmem:$0x12E0]  }
0x30: {  	v20 =	vld [tilespmem:$0x12F0]  }
0x31: {  	v21 =	vld [tilespmem:$0x1300]  }
0x32: {  	v22 =	vld [tilespmem:$0x1310];
	v17 =	vmul.u32 $0xC8, v17  }
0x33: {  	v23 =	vld [tilespmem:$0x1320];
	v18 =	vmul.u32 $0xC8, v18  }
0x34: {  	v24 =	vld [tilespmem:$0x1330];
	v19 =	vmul.u32 $0xC8, v19;
	v17 =	vadd.s32 v1, v17  }
0x35: {  	[tilespmem:$0x2BC0] =	vst v17;
	v17 =	vadd.s32 v2, v18;
	v18 =	vmul.u32 $0xC8, v20  }
0x36: {  	[tilespmem:$0x2BD0] =	vst v17;
	v17 =	vadd.s32 v3, v19;
	v19 =	vmul.u32 $0xC8, v21  }
0x37: {  	[tilespmem:$0x2BE0] =	vst v17;
	v17 =	vadd.s32 v4, v18;
	v18 =	vmul.u32 $0xC8, v22  }
0x38: {  	[tilespmem:$0x2BF0] =	vst v17;
	v17 =	vadd.s32 v5, v19;
	v19 =	vmul.u32 $0xC8, v23  }
0x39: {  	[tilespmem:$0x2C00] =	vst v17;
	v17 =	vadd.s32 v6, v18;
	v18 =	vmul.u32 $0xC8, v24  }
0x3a: {  	[tilespmem:$0x2C10] =	vst v17;
	v17 =	vadd.s32 v7, v19  }
0x3b: {  	[tilespmem:$0x2C20] =	vst v17;
	v17 =	vadd.s32 v8, v18  }
0x3c: {  	s30 =	simm.s32 $0x2BC0;
	[tilespmem:$0x2C30] =	vst v17  }
0x3d: {  	[tilespmem:s15], [sflag:$0x1] =	stream.indirect.gather [spmem:s2], $0x80, s30, s13, $0xb8;
	[tilespmem:$0xC7C0] =	vst v63  }
0x3e: {  	v17 =	vld [tilespmem:$0x1340]  }
0x3f: {  	v18 =	vld [tilespmem:$0x1350]  }
0x40: {  	v19 =	vld [tilespmem:$0x1360]  }
0x41: {  	v59 =	vld [tilespmem:$0x1370]  }
0x42: {  	v60 =	vld [tilespmem:$0x1380]  }
0x43: {  	v61 =	vld [tilespmem:$0x1390];
	v17 =	vmul.u32 $0xC8, v17  }
0x44: {  	v62 =	vld [tilespmem:$0x13A0];
	v18 =	vmul.u32 $0xC8, v18  }
0x45: {  	v63 =	vld [tilespmem:$0x13B0];
	v19 =	vmul.u32 $0xC8, v19;
	v17 =	vadd.s32 v9, v17  }
0x46: {  	[tilespmem:$0x2C40] =	vst v17;
	v17 =	vadd.s32 v10, v18;
	v18 =	vmul.u32 $0xC8, v59  }
0x47: {  	[tilespmem:$0x2C50] =	vst v17;
	v17 =	vadd.s32 v11, v19;
	v19 =	vmul.u32 $0xC8, v60  }
0x48: {  	[tilespmem:$0x2C60] =	vst v17;
	v17 =	vadd.s32 v12, v18;
	v18 =	vmul.u32 $0xC8, v61  }
0x49: {  	[tilespmem:$0x2C70] =	vst v17;
	v17 =	vadd.s32 v13, v19;
	v19 =	vmul.u32 $0xC8, v62  }
0x4a: {  	[tilespmem:$0x2C80] =	vst v17;
	v17 =	vadd.s32 v14, v18;
	v18 =	vmul.u32 $0xC8, v63  }
0x4b: {  	[tilespmem:$0x2C90] =	vst v17;
	v17 =	vadd.s32 v15, v19  }
0x4c: {  	[tilespmem:$0x2CA0] =	vst v17;
	v17 =	vadd.s32 v16, v18  }
0x4d: {  	s31 =	simm.s32 $0x2C40;
	[tilespmem:$0x2CB0] =	vst v17  }
0x4e: {  	[tilespmem:s17], [sflag:$0x2] =	stream.indirect.gather [spmem:s2], $0x80, s31, s13, $0xb8;
	[tilespmem:$0xC7C0] =	vst v63  }
0x4f: {  	_ =	swait.ge [sflag:s18], $0x4000  }
0x50: {  	[sflag:s18] =	ssyncset.done $0x0;
	s1 =	rddreg [dreg:$0x5]  }
0x51: {  	[sflag:s18] =	ssyncadd.s32 $0xFFFFC000;
	s24 =	sadd.s32 $0x0, s1  }
0x52: {  	[hbm4b:s8+s3] =	stream.linear.scatter [tilespmem:s15], [sflag:$0x3], $0x4000, $0x38;
	[tilespmem:$0xC7C0] =	vst v63  }
0x53: {  	s23 =	simm.s32 $0x14B0;
	s0 =	sadd.s32 $0x100, s24  }
0x54: {  	v17 =	vld [tilespmem:s23+$0xFFFFFF10];
	v18 =	vor.u32 s0, v0  }
0x55: {  	v19 =	vmulhi.u32 $0x51EB851F, v18;
	_ =	sdelay $0x1  }
0x56: {  	v19 =	vshrl.u32 v19, $0x6  }
0x57: {  	v19 =	vmul.u32 $0xC8, v19  }
0x58: {  	v17 =	vmul.u32 $0xC8, v17  }
0x59: {  	v18 =	vsub.s32 v18, v19  }
0x5a: {  	s25 =	simm.s32 $0x2CC0;
	v17 =	vadd.s32 v18, v17  }
0x5b: {  	s4 =	sadd.s32 $0x110, s24;
	[tilespmem:s25+$0x0] =	vst v17  }
0x5c: {  	v17 =	vor.u32 s4, v0;
	v18 =	vld [tilespmem:s23+$0xFFFFFF20]  }
0x5d: {  	v19 =	vmulhi.u32 $0x51EB851F, v17;
	_ =	sdelay $0x1  }
0x5e: {  	v19 =	vshrl.u32 v19, $0x6  }
0x5f: {  	v19 =	vmul.u32 $0xC8, v19  }
0x60: {  	v18 =	vmul.u32 $0xC8, v18  }
0x61: {  	v17 =	vsub.s32 v17, v19  }
0x62: {  	v17 =	vadd.s32 v17, v18  }
0x63: {  	s11 =	sadd.s32 $0x120, s24;
	[tilespmem:s25+$0x10] =	vst v17  }
0x64: {  	v17 =	vor.u32 s11, v0;
	v18 =	vld [tilespmem:s23+$0xFFFFFF30]  }
0x65: {  	v19 =	vmulhi.u32 $0x51EB851F, v17;
	_ =	sdelay $0x1  }
0x66: {  	v19 =	vshrl.u32 v19, $0x6  }
0x67: {  	v19 =	vmul.u32 $0xC8, v19  }
0x68: {  	v18 =	vmul.u32 $0xC8, v18  }
0x69: {  	v17 =	vsub.s32 v17, v19  }
0x6a: {  	v17 =	vadd.s32 v17, v18  }
0x6b: {  	s14 =	sadd.s32 $0x130, s24;
	[tilespmem:s25+$0x20] =	vst v17  }
0x6c: {  	v17 =	vor.u32 s14, v0;
	v18 =	vld [tilespmem:s23+$0xFFFFFF40]  }
0x6d: {  	v19 =	vmulhi.u32 $0x51EB851F, v17;
	_ =	sdelay $0x1  }
0x6e: {  	v19 =	vshrl.u32 v19, $0x6  }
0x6f: {  	v19 =	vmul.u32 $0xC8, v19  }
0x70: {  	v18 =	vmul.u32 $0xC8, v18  }
0x71: {  	v17 =	vsub.s32 v17, v19  }
0x72: {  	v17 =	vadd.s32 v17, v18  }
0x73: {  	s16 =	sadd.s32 $0x140, s24;
	[tilespmem:s25+$0x30] =	vst v17  }
0x74: {  	v17 =	vor.u32 s16, v0;
	v18 =	vld [tilespmem:s23+$0xFFFFFF50]  }
0x75: {  	v19 =	vmulhi.u32 $0x51EB851F, v17;
	_ =	sdelay $0x1  }
0x76: {  	v19 =	vshrl.u32 v19, $0x6  }
0x77: {  	v19 =	vmul.u32 $0xC8, v19  }
0x78: {  	v18 =	vmul.u32 $0xC8, v18  }
0x79: {  	v17 =	vsub.s32 v17, v19  }
0x7a: {  	v17 =	vadd.s32 v17, v18  }
0x7b: {  	s26 =	sadd.s32 $0x150, s24;
	[tilespmem:s25+$0x40] =	vst v17  }
0x7c: {  	v17 =	vor.u32 s26, v0;
	v18 =	vld [tilespmem:s23+$0xFFFFFF60]  }
0x7d: {  	v19 =	vmulhi.u32 $0x51EB851F, v17;
	_ =	sdelay $0x1  }
0x7e: {  	v19 =	vshrl.u32 v19, $0x6  }
0x7f: {  	v19 =	vmul.u32 $0xC8, v19  }
0x80: {  	v18 =	vmul.u32 $0xC8, v18  }
0x81: {  	v17 =	vsub.s32 v17, v19  }
0x82: {  	v17 =	vadd.s32 v17, v18  }
0x83: {  	s30 =	sadd.s32 $0x160, s24;
	[tilespmem:s25+$0x50] =	vst v17  }
0x84: {  	v17 =	vor.u32 s30, v0;
	v18 =	vld [tilespmem:s23+$0xFFFFFF70]  }
0x85: {  	v19 =	vmulhi.u32 $0x51EB851F, v17;
	_ =	sdelay $0x1  }
0x86: {  	v19 =	vshrl.u32 v19, $0x6  }
0x87: {  	v19 =	vmul.u32 $0xC8, v19  }
0x88: {  	v18 =	vmul.u32 $0xC8, v18  }
0x89: {  	v17 =	vsub.s32 v17, v19  }
0x8a: {  	v17 =	vadd.s32 v17, v18  }
0x8b: {  	s31 =	sadd.s32 $0x170, s24;
	[tilespmem:s25+$0x60] =	vst v17  }
0x8c: {  	v17 =	vor.u32 s31, v0;
	v18 =	vld [tilespmem:s23+$0xFFFFFF80]  }
0x8d: {  	v19 =	vmulhi.u32 $0x51EB851F, v17;
	_ =	sdelay $0x1  }
0x8e: {  	v19 =	vshrl.u32 v19, $0x6  }
0x8f: {  	v19 =	vmul.u32 $0xC8, v19  }
0x90: {  	v18 =	vmul.u32 $0xC8, v18  }
0x91: {  	v17 =	vsub.s32 v17, v19  }
0x92: {  	v17 =	vadd.s32 v17, v18  }
0x93: {  	[tilespmem:s25+$0x70] =	vst v17  }
0x94: {  	_ =	swait.ge [sflag:s19], $0x4000  }
0x95: {  	[sflag:s19] =	ssyncset.done $0x0  }
0x96: {  	[sflag:s19] =	ssyncadd.s32 $0xFFFFC000  }
0x97: {  	[tilespmem:s15], [sflag:$0x1] =	stream.indirect.gather [spmem:s2], $0x80, s25, s13, $0xb8;
	[tilespmem:$0xC7C0] =	vst v63  }
0x98: {  	_ =	swait.ge [sflag:s20], $0x4000  }
0x99: {  	[sflag:s20] =	ssyncset.done $0x0  }
0x9a: {  	s1 =	sadd.s32 $0x180, s24;
	[sflag:s20] =	ssyncadd.s32 $0xFFFFC000  }
0x9b: {  	[hbm4b:s9+s3] =	stream.linear.scatter [tilespmem:s17], [sflag:$0x4], $0x4000, $0x38;
	[tilespmem:$0xC7C0] =	vst v63  }
0x9c: {  	v17 =	vor.u32 s1, v0;
	v18 =	vld [tilespmem:s23+$0xFFFFFF90]  }
0x9d: {  	v19 =	vmulhi.u32 $0x51EB851F, v17;
	_ =	sdelay $0x1  }
0x9e: {  	v19 =	vshrl.u32 v19, $0x6  }
0x9f: {  	v19 =	vmul.u32 $0xC8, v19  }
0xa0: {  	v18 =	vmul.u32 $0xC8, v18  }
0xa1: {  	v17 =	vsub.s32 v17, v19  }
0xa2: {  	v17 =	vadd.s32 v17, v18  }
0xa3: {  	s4 =	sadd.s32 $0x190, s24;
	[tilespmem:s25+$0x80] =	vst v17  }
0xa4: {  	v17 =	vor.u32 s4, v0;
	v18 =	vld [tilespmem:s23+$0xFFFFFFA0]  }
0xa5: {  	v19 =	vmulhi.u32 $0x51EB851F, v17;
	_ =	sdelay $0x1  }
0xa6: {  	v19 =	vshrl.u32 v19, $0x6  }
0xa7: {  	v19 =	vmul.u32 $0xC8, v19  }
0xa8: {  	v18 =	vmul.u32 $0xC8, v18  }
0xa9: {  	v17 =	vsub.s32 v17, v19  }
0xaa: {  	v17 =	vadd.s32 v17, v18  }
0xab: {  	s11 =	sadd.s32 $0x1A0, s24;
	[tilespmem:s25+$0x90] =	vst v17  }
0xac: {  	v17 =	vor.u32 s11, v0;
	v18 =	vld [tilespmem:s23+$0xFFFFFFB0]  }
0xad: {  	v19 =	vmulhi.u32 $0x51EB851F, v17;
	_ =	sdelay $0x1  }
0xae: {  	v19 =	vshrl.u32 v19, $0x6  }
0xaf: {  	v19 =	vmul.u32 $0xC8, v19  }
0xb0: {  	v18 =	vmul.u32 $0xC8, v18  }
0xb1: {  	v17 =	vsub.s32 v17, v19  }
0xb2: {  	v17 =	vadd.s32 v17, v18  }
0xb3: {  	s14 =	sadd.s32 $0x1B0, s24;
	[tilespmem:s25+$0xA0] =	vst v17  }
0xb4: {  	v17 =	vor.u32 s14, v0;
	v18 =	vld [tilespmem:s23+$0xFFFFFFC0]  }
0xb5: {  	v19 =	vmulhi.u32 $0x51EB851F, v17;
	_ =	sdelay $0x1  }
0xb6: {  	v19 =	vshrl.u32 v19, $0x6  }
0xb7: {  	v19 =	vmul.u32 $0xC8, v19  }
0xb8: {  	v18 =	vmul.u32 $0xC8, v18  }
0xb9: {  	v17 =	vsub.s32 v17, v19  }
0xba: {  	v17 =	vadd.s32 v17, v18  }
0xbb: {  	s16 =	sadd.s32 $0x1C0, s24;
	[tilespmem:s25+$0xB0] =	vst v17  }
0xbc: {  	v17 =	vor.u32 s16, v0;
	v18 =	vld [tilespmem:s23+$0xFFFFFFD0]  }
0xbd: {  	v19 =	vmulhi.u32 $0x51EB851F, v17;
	_ =	sdelay $0x1  }
0xbe: {  	v19 =	vshrl.u32 v19, $0x6  }
0xbf: {  	v19 =	vmul.u32 $0xC8, v19  }
0xc0: {  	v18 =	vmul.u32 $0xC8, v18  }
0xc1: {  	v17 =	vsub.s32 v17, v19  }
0xc2: {  	v17 =	vadd.s32 v17, v18  }
0xc3: {  	s26 =	sadd.s32 $0x1D0, s24;
	[tilespmem:s25+$0xC0] =	vst v17  }
0xc4: {  	v17 =	vor.u32 s26, v0;
	v18 =	vld [tilespmem:s23+$0xFFFFFFE0]  }
0xc5: {  	v19 =	vmulhi.u32 $0x51EB851F, v17;
	_ =	sdelay $0x1  }
0xc6: {  	v19 =	vshrl.u32 v19, $0x6  }
0xc7: {  	v19 =	vmul.u32 $0xC8, v19  }
0xc8: {  	v18 =	vmul.u32 $0xC8, v18  }
0xc9: {  	v17 =	vsub.s32 v17, v19  }
0xca: {  	v17 =	vadd.s32 v17, v18  }
0xcb: {  	s30 =	sadd.s32 $0x1E0, s24;
	[tilespmem:s25+$0xD0] =	vst v17  }
0xcc: {  	v17 =	vor.u32 s30, v0;
	v18 =	vld [tilespmem:s23+$0xFFFFFFF0]  }
0xcd: {  	v19 =	vmulhi.u32 $0x51EB851F, v17;
	_ =	sdelay $0x1  }
0xce: {  	v19 =	vshrl.u32 v19, $0x6  }
0xcf: {  	v19 =	vmul.u32 $0xC8, v19  }
0xd0: {  	v18 =	vmul.u32 $0xC8, v18  }
0xd1: {  	v17 =	vsub.s32 v17, v19  }
0xd2: {  	v17 =	vadd.s32 v17, v18  }
0xd3: {  	s31 =	sadd.s32 $0x1F0, s24;
	[tilespmem:s25+$0xE0] =	vst v17  }
0xd4: {  	v17 =	vor.u32 s31, v0;
	v18 =	vld [tilespmem:s23+$0x0]  }
0xd5: {  	v19 =	vmulhi.u32 $0x51EB851F, v17;
	_ =	sdelay $0x1  }
0xd6: {  	v19 =	vshrl.u32 v19, $0x6  }
0xd7: {  	v19 =	vmul.u32 $0xC8, v19  }
0xd8: {  	v18 =	vmul.u32 $0xC8, v18  }
0xd9: {  	v17 =	vsub.s32 v17, v19  }
0xda: {  	s28 =	simm.s32 $0x2DC0;
	v17 =	vadd.s32 v17, v18  }
0xdb: {  	s29 =	smov.u32 s8;
	s24 =	simm.s32 $0x100;
	s26 =	sadd.s32 $0x1000, s9;
	[tilespmem:s25+$0xF0] =	vst v17  }
0xdc: {  	s23 =	simm.s32 $0x2D40;
	s25 =	simm.s32 $0x15B0;
	_ =	swait.ge [sflag:s21], $0x4000  }
.LBB2_2:
0xdd: {  	[sflag:s21] =	ssyncset.done $0x0  }
0xde: {  	[sflag:s21] =	ssyncadd.s32 $0xFFFFC000  }
0xdf: {  	[tilespmem:s17], [sflag:$0x2] =	stream.indirect.gather [spmem:s2], $0x80, s23, s13, $0xb8;
	[tilespmem:$0xC7C0] =	vst v63  }
0xe0: {  	s0 =	sadd.s32 $0x80, s28;
	_ =	swait.ge [sflag:s18], $0x4000  }
0xe1: {  	s1 =	smov.u32 s24;
	[sflag:s18] =	ssyncset.done $0x0;
	s14 =	rddreg [dreg:$0x5]  }
0xe2: {  	s29 =	sadd.s32 $0x1000, s29;
	[sflag:s18] =	ssyncadd.s32 $0xFFFFC000;
	s31 =	sadd.s32 s1, s14  }
0xe3: {  	[hbm4b:s29+s3] =	stream.linear.scatter [tilespmem:s15], [sflag:$0x3], $0x4000, $0x38;
	[tilespmem:$0xC7C0] =	vst v63  }
0xe4: {  	s23 =	smov.u32 s0;
	s0 =	sadd.s32 $0x100, s31  }
0xe5: {  	v17 =	vld [tilespmem:s25+$0xFFFFFF10];
	v18 =	vor.u32 s0, v0  }
0xe6: {  	v21 =	vmulhi.u32 $0x51EB851F, v18;
	_ =	sdelay $0x1  }
0xe7: {  	v21 =	vshrl.u32 v21, $0x6  }
0xe8: {  	v21 =	vmul.u32 $0xC8, v21  }
0xe9: {  	v17 =	vmul.u32 $0xC8, v17  }
0xea: {  	v18 =	vsub.s32 v18, v21  }
0xeb: {  	s1 =	sadd.s32 $0x110, s31;
	v17 =	vadd.s32 v18, v17  }
0xec: {  	v19 =	vor.u32 s1, v0;
	[tilespmem:s28+$0x0] =	vst v17  }
0xed: {  	v24 =	vmulhi.u32 $0x51EB851F, v19;
	v42 =	vld [tilespmem:s25+$0xFFFFFF20];
	_ =	sdelay $0x1  }
0xee: {  	v24 =	vshrl.u32 v24, $0x6  }
0xef: {  	v24 =	vmul.u32 $0xC8, v24;
	_ =	sdelay $0x1  }
0xf0: {  	v18 =	vsub.s32 v19, v24;
	v24 =	vmul.u32 $0xC8, v42;
	_ =	sdelay $0x1  }
0xf1: {  	v18 =	vadd.s32 v18, v24  }
0xf2: {  	s11 =	sadd.s32 $0x120, s31;
	[tilespmem:s28+$0x10] =	vst v18  }
0xf3: {  	s30 =	sadd.s32 $0x140, s31;
	v20 =	vor.u32 s11, v0;
	v51 =	vld [tilespmem:s25+$0xFFFFFF30]  }
0xf4: {  	v23 =	vor.u32 s30, v0;
	s30 =	sadd.s32 $0x170, s31;
	v27 =	vmulhi.u32 $0x51EB851F, v20  }
0xf5: {  	v28 =	vor.u32 s30, v0  }
0xf6: {  	v31 =	vmulhi.u32 $0x51EB851F, v28;
	v27 =	vshrl.u32 v27, $0x6  }
0xf7: {  	v38 =	vmul.u32 $0xC8, v27  }
0xf8: {  	v46 =	vshrl.u32 v31, $0x6;
	v31 =	vmul.u32 $0xC8, v51  }
0xf9: {  	v17 =	vsub.s32 v20, v38  }
0xfa: {  	v17 =	vadd.s32 v17, v31  }
0xfb: {  	s16 =	sadd.s32 $0x130, s31;
	[tilespmem:s28+$0x20] =	vst v17  }
0xfc: {  	v22 =	vor.u32 s16, v0;
	s16 =	sadd.s32 $0x160, s31;
	v62 =	vld [tilespmem:s25+$0xFFFFFF40]  }
0xfd: {  	v26 =	vor.u32 s16, v0;
	v29 =	vmulhi.u32 $0x51EB851F, v22  }
0xfe: {  	v44 =	vmulhi.u32 $0x51EB851F, v26  }
0xff: {  	v39 =	vshrl.u32 v29, $0x6  }
0x100: {  	v29 =	vshrl.u32 v44, $0x6;
	v19 =	vmul.u32 $0xC8, v39  }
0x101: {  	v45 =	vmul.u32 $0xC8, v29;
	v29 =	vmul.u32 $0xC8, v62  }
0x102: {  	v27 =	vsub.s32 v22, v19  }
0x103: {  	v27 =	vadd.s32 v27, v29  }
0x104: {  	[tilespmem:s28+$0x30] =	vst v27  }
0x105: {  	v27 =	vld [tilespmem:s25+$0xFFFFFF50]  }
0x106: {  	v40 =	vmulhi.u32 $0x51EB851F, v23;
	_ =	sdelay $0x1  }
0x107: {  	v20 =	vshrl.u32 v40, $0x6  }
0x108: {  	v20 =	vmul.u32 $0xC8, v20  }
0x109: {  	v27 =	vmul.u32 $0xC8, v27  }
0x10a: {  	v33 =	vsub.s32 v23, v20  }
0x10b: {  	v27 =	vadd.s32 v33, v27  }
0x10c: {  	s4 =	sadd.s32 $0x150, s31;
	[tilespmem:s28+$0x40] =	vst v27  }
0x10d: {  	v25 =	vor.u32 s4, v0;
	v27 =	vld [tilespmem:s25+$0xFFFFFF60]  }
0x10e: {  	v19 =	vmulhi.u32 $0x51EB851F, v25;
	_ =	sdelay $0x1  }
0x10f: {  	v19 =	vshrl.u32 v19, $0x6  }
0x110: {  	v19 =	vmul.u32 $0xC8, v19  }
0x111: {  	v27 =	vmul.u32 $0xC8, v27  }
0x112: {  	v25 =	vsub.s32 v25, v19  }
0x113: {  	v25 =	vadd.s32 v25, v27  }
0x114: {  	[tilespmem:s28+$0x50] =	vst v25  }
0x115: {  	v25 =	vld [tilespmem:s25+$0xFFFFFF70];
	_ =	sdelay $0x4  }
0x116: {  	v25 =	vmul.u32 $0xC8, v25  }
0x117: {  	v26 =	vsub.s32 v26, v45  }
0x118: {  	v25 =	vadd.s32 v26, v25  }
0x119: {  	[tilespmem:s28+$0x60] =	vst v25  }
0x11a: {  	v25 =	vld [tilespmem:s25+$0xFFFFFF80];
	_ =	sdelay $0x3  }
0x11b: {  	v19 =	vmul.u32 $0xC8, v46  }
0x11c: {  	v25 =	vmul.u32 $0xC8, v25  }
0x11d: {  	v28 =	vsub.s32 v28, v19  }
0x11e: {  	v25 =	vadd.s32 v28, v25  }
0x11f: {  	[tilespmem:s28+$0x70] =	vst v25  }
0x120: {  	_ =	swait.ge [sflag:s19], $0x4000  }
0x121: {  	[sflag:s19] =	ssyncset.done $0x0  }
0x122: {  	[sflag:s19] =	ssyncadd.s32 $0xFFFFC000  }
0x123: {  	[tilespmem:s15], [sflag:$0x1] =	stream.indirect.gather [spmem:s2], $0x80, s28, s13, $0xb8;
	[tilespmem:$0xC7C0] =	vst v63  }
0x124: {  	_ =	swait.ge [sflag:s20], $0x4000  }
0x125: {  	[sflag:s20] =	ssyncset.done $0x0  }
0x126: {  	s14 =	sadd.s32 $0x180, s31;
	[sflag:s20] =	ssyncadd.s32 $0xFFFFC000  }
0x127: {  	[hbm4b:s26+s3] =	stream.linear.scatter [tilespmem:s17], [sflag:$0x4], $0x4000, $0x38;
	[tilespmem:$0xC7C0] =	vst v63  }
0x128: {  	v41 =	vor.u32 s14, v0;
	v63 =	vld [tilespmem:s25+$0xFFFFFF90]  }
0x129: {  	v32 =	vmulhi.u32 $0x51EB851F, v41;
	_ =	sdelay $0x1  }
0x12a: {  	v47 =	vshrl.u32 v32, $0x6  }
0x12b: {  	v19 =	vmul.u32 $0xC8, v47  }
0x12c: {  	v25 =	vmul.u32 $0xC8, v63  }
0x12d: {  	v52 =	vsub.s32 v41, v19  }
0x12e: {  	v24 =	vadd.s32 v52, v25  }
0x12f: {  	s16 =	sadd.s32 $0x190, s31;
	[tilespmem:s28+$0x80] =	vst v24  }
0x130: {  	v43 =	vor.u32 s16, v0;
	v24 =	vld [tilespmem:s25+$0xFFFFFFA0]  }
0x131: {  	v48 =	vmulhi.u32 $0x51EB851F, v43;
	_ =	sdelay $0x1  }
0x132: {  	v18 =	vshrl.u32 v48, $0x6  }
0x133: {  	v18 =	vmul.u32 $0xC8, v18  }
0x134: {  	v24 =	vmul.u32 $0xC8, v24  }
0x135: {  	v54 =	vsub.s32 v43, v18  }
0x136: {  	v23 =	vadd.s32 v54, v24  }
0x137: {  	s4 =	sadd.s32 $0x1A0, s31;
	[tilespmem:s28+$0x90] =	vst v23  }
0x138: {  	v30 =	vor.u32 s4, v0;
	v23 =	vld [tilespmem:s25+$0xFFFFFFB0]  }
0x139: {  	v49 =	vmulhi.u32 $0x51EB851F, v30;
	_ =	sdelay $0x1  }
0x13a: {  	v20 =	vshrl.u32 v49, $0x6  }
0x13b: {  	v18 =	vmul.u32 $0xC8, v20  }
0x13c: {  	v23 =	vmul.u32 $0xC8, v23  }
0x13d: {  	v56 =	vsub.s32 v30, v18  }
0x13e: {  	v22 =	vadd.s32 v56, v23  }
0x13f: {  	s11 =	sadd.s32 $0x1B0, s31;
	[tilespmem:s28+$0xA0] =	vst v22  }
0x140: {  	v50 =	vor.u32 s11, v0;
	v22 =	vld [tilespmem:s25+$0xFFFFFFC0]  }
0x141: {  	v19 =	vmulhi.u32 $0x51EB851F, v50;
	_ =	sdelay $0x1  }
0x142: {  	v19 =	vshrl.u32 v19, $0x6  }
0x143: {  	v19 =	vmul.u32 $0xC8, v19  }
0x144: {  	v22 =	vmul.u32 $0xC8, v22  }
0x145: {  	v58 =	vsub.s32 v50, v19  }
0x146: {  	v21 =	vadd.s32 v58, v22  }
0x147: {  	s1 =	sadd.s32 $0x1C0, s31;
	[tilespmem:s28+$0xB0] =	vst v21  }
0x148: {  	v53 =	vor.u32 s1, v0;
	v21 =	vld [tilespmem:s25+$0xFFFFFFD0]  }
0x149: {  	v55 =	vmulhi.u32 $0x51EB851F, v53;
	_ =	sdelay $0x1  }
0x14a: {  	v19 =	vshrl.u32 v55, $0x6  }
0x14b: {  	v19 =	vmul.u32 $0xC8, v19  }
0x14c: {  	v21 =	vmul.u32 $0xC8, v21  }
0x14d: {  	v61 =	vsub.s32 v53, v19  }
0x14e: {  	v20 =	vadd.s32 v61, v21  }
0x14f: {  	s0 =	sadd.s32 $0x1D0, s31;
	[tilespmem:s28+$0xC0] =	vst v20  }
0x150: {  	v34 =	vor.u32 s0, v0;
	v20 =	vld [tilespmem:s25+$0xFFFFFFE0]  }
0x151: {  	v18 =	vmulhi.u32 $0x51EB851F, v34;
	_ =	sdelay $0x1  }
0x152: {  	v18 =	vshrl.u32 v18, $0x6  }
0x153: {  	v18 =	vmul.u32 $0xC8, v18  }
0x154: {  	v20 =	vmul.u32 $0xC8, v20  }
0x155: {  	v19 =	vsub.s32 v34, v18  }
0x156: {  	v19 =	vadd.s32 v19, v20  }
0x157: {  	s30 =	sadd.s32 $0x1E0, s31;
	[tilespmem:s28+$0xD0] =	vst v19  }
0x158: {  	v35 =	vor.u32 s30, v0;
	v19 =	vld [tilespmem:s25+$0xFFFFFFF0]  }
0x159: {  	s31 =	sadd.s32 $0x1F0, s31;
	v59 =	vmulhi.u32 $0x51EB851F, v35  }
0x15a: {  	v57 =	vor.u32 s31, v0  }
0x15b: {  	v60 =	vmulhi.u32 $0x51EB851F, v57;
	v17 =	vshrl.u32 v59, $0x6  }
0x15c: {  	v17 =	vmul.u32 $0xC8, v17  }
0x15d: {  	v18 =	vshrl.u32 v60, $0x6;
	v19 =	vmul.u32 $0xC8, v19  }
0x15e: {  	v31 =	vmul.u32 $0xC8, v18;
	v18 =	vsub.s32 v35, v17  }
0x15f: {  	v18 =	vadd.s32 v18, v19  }
0x160: {  	[tilespmem:s28+$0xE0] =	vst v18  }
0x161: {  	v18 =	vld [tilespmem:s25+$0x0];
	_ =	sdelay $0x3  }
0x162: {  	p1 =	sne.s32 s24, $0x1700  }
.Ltmp0:
0x163: {  	v18 =	vmul.u32 $0xC8, v18;
	(pc) =	sbr.rel @p1 .LBB2_2-.Ltmp0, $4  }
0x164: {  	v17 =	vsub.s32 v57, v31  }
0x165: {  	v17 =	vadd.s32 v17, v18  }
0x166: {  	s24 =	sadd.s32 $0x100, s24;
	s26 =	sadd.s32 $0x1000, s26;
	[tilespmem:s28+$0xF0] =	vst v17  }
0x167: {  	s25 =	sadd.s32 $0x100, s25;
	s28 =	sadd.s32 $0x100, s28;
	_ =	swait.ge [sflag:s21], $0x4000  }
0x168: {  	[sflag:s21] =	ssyncset.done $0x0  }
0x169: {  	[sflag:s21] =	ssyncadd.s32 $0xFFFFC000  }
0x16a: {  	[tilespmem:s17], [sflag:$0x2] =	stream.indirect.gather [spmem:s2], $0x80, s23, s13, $0xb8;
	[tilespmem:$0xC7C0] =	vst v63  }
0x16b: {  	_ =	swait.ge [sflag:s18], $0x4000  }
0x16c: {  	[sflag:s18] =	ssyncset.done $0x0  }
0x16d: {  	[sflag:s18] =	ssyncadd.s32 $0xFFFFC000  }
0x16e: {  	[hbm4b:s5+s3] =	stream.linear.scatter [tilespmem:s15], [sflag:$0x3], $0x4000, $0x38;
	[tilespmem:$0xC7C0] =	vst v63  }
0x16f: {  	_ =	swait.ge [sflag:s19], $0x4000  }
0x170: {  	[sflag:s19] =	ssyncset.done $0x0  }
0x171: {  	[sflag:s19] =	ssyncadd.s32 $0xFFFFC000  }
0x172: {  	s22 =	sadd.s32 $0x1, s22;
	_ =	swait.ge [sflag:s20], $0x4000  }
0x173: {  	p1 =	sne.s32 s22, s7;
	[sflag:s20] =	ssyncset.done $0x0  }
.Ltmp1:
0x174: {  	[sflag:s20] =	ssyncadd.s32 $0xFFFFC000;
	(pc) =	sbr.rel @p1 .LBB2_1-.Ltmp1, $4  }
0x175: {  	[hbm4b:s6+s3] =	stream.linear.scatter [tilespmem:s17], [sflag:$0x4], $0x4000, $0x38;
	[tilespmem:$0xC7C0] =	vst v63  }
0x176: {  	_ =	swait.ge [sflag:s21], $0x4000  }
0x177: {  	[sflag:s21] =	ssyncset.done $0x0  }
0x178: {  	[sflag:s21] =	ssyncadd.s32 $0xFFFFC000  }
0x179: {  	_ =	sfence.sel $0x180000  }
0x17a: {  	[bflag:$0x0] =	sbarrier.arrive $0xFFFF  }
0x17b: {  	_ =	strace $0x90000047  }
0x17c: {  	[bflag:$0x2] =	sbarrier.arrive $0xFFFF  }
0x17d: {  	s0 =	rddreg [dreg:$0x4]  }
0x17e: {  	s0 =	sadd.s32 @!p0 $0x100000, s0  }
0x17f: {  	[sflag:s0] =	ssyncadd.tile.s32 @!p0 $0x1;
	_ =	shalt  }
.Lfunc_end2:
_tile_overlayer_lowered:
.L_overlay_start_2:
0x180: {  	(tag) =	ssettag $0x2  }
0x181: {  	s0 =	rddreg [dreg:$0x0];
	s2 =	stileid.u32  }
0x182: {  	s1 =	rddreg [dreg:$0x1];
	p0 =	sne.s32 s2, $0x0  }
0x183: {  	s3 =	rddreg [dreg:$0x2];
	[bflag:$0x3] =	sbarrier.arrive $0xFFFF;
	s2 =	simm.s32 @!p0 $0x1C05  }
0x184: {  	[timem:s3], [sflag:s2] =	dma.local @!p0 [hbm:s0], s1  }
0x185: {  	s0 =	simm.s32 @!p0 $0x5  }
0x186: {  	_ =	swait.ge @!p0 [sflag:s0], s1  }
0x187: {  	s1 =	ssub.s32 @!p0 $0x0, s1;
	[sflag:s0] =	ssyncset.done @!p0 $0x0  }
0x188: {  	[sflag:s0] =	ssyncadd.s32 @!p0 s1  }
0x189: {  	[bflag:$0x3] =	sbarrier.arrive $0xFFFF  }
0x18a: {  	_ =	shalt  }

</sc_bundles>
